<compile_context>
chip_gen: v7x
topology: tpu7x:2x2x1
jax: 0.10.2.dev20260603
libtpu: 0.0.44.dev20260713+nightly
codegen_flags: <defaults>
</compile_context>

<pallas_src>
import functools

import jax
import jax.numpy as jnp
from jax import lax
from jax.experimental import pallas as pl
from jax.experimental.pallas import tpu as pltpu
from jax.experimental.pallas import tpu_sc as plsc

_NUM_NODES = 10000
_NUM_GENE = 4000
_HID = 32
_HEADS = 2

_NC = 2
_NS = 16
_NW = _NC * _NS
_L = 16
_EB = 128
_PW = 8


_EBO = 512
_NSUB = _EBO // _EB


_CW = 80


def _sc_l1_gather_body(src_hbm, dst_hbm, cs_hbm, cd_hbm,
                       gs_out, gd_out, idx_s, idx_d, gsv, gdv, sem):
    cid = lax.axis_index("c")
    sid = lax.axis_index("s")
    wid = sid * _NC + cid
    nchunk = src_hbm.shape[0] // (_NW * _EBO)

    def chunk(g, carry):
        base = (wid * nchunk + g) * _EBO
        pltpu.sync_copy(src_hbm.at[pl.ds(base, _EBO)], idx_s)
        pltpu.sync_copy(dst_hbm.at[pl.ds(base, _EBO)], idx_d)
        cps = []
        for q in range(_NSUB):
            r = pl.ds(q * _EB, _EB)
            cps.append(pltpu.async_copy(cs_hbm.at[idx_s.at[r]], gsv.at[r], sem))
            cps.append(pltpu.async_copy(cd_hbm.at[idx_d.at[r]], gdv.at[r], sem))
        for cp in cps:
            cp.wait()
        pltpu.sync_copy(gsv, gs_out.at[pl.ds(base, _EBO)])
        pltpu.sync_copy(gdv, gd_out.at[pl.ds(base, _EBO)])
        return carry

    lax.fori_loop(0, nchunk, chunk, 0)


def _sc_l1_gather(srcp, dstp, catS, catD):
    e1p = srcp.shape[0]
    mesh = plsc.VectorSubcoreMesh(core_axis_name="c", subcore_axis_name="s")
    fn = pl.kernel(
        _sc_l1_gather_body,
        out_type=(
            jax.ShapeDtypeStruct((e1p, _CW), jnp.float32),
            jax.ShapeDtypeStruct((e1p, _CW), jnp.float32),
        ),
        mesh=mesh,
        scratch_types=[
            pltpu.VMEM((_EBO,), jnp.int32),
            pltpu.VMEM((_EBO,), jnp.int32),
            pltpu.VMEM((_EBO, _CW), jnp.float32),
            pltpu.VMEM((_EBO, _CW), jnp.float32),
            pltpu.SemaphoreType.DMA,
        ],
        compiler_params=pltpu.CompilerParams(
            needs_layout_passes=False, use_tc_tiling_on_sc=False),
    )
    return fn(srcp, dstp, catS, catD)


def _alpha_body(gs_ref, gd_ref, w1e_ref, b1e_ref, we_ref,
                att_ref, sel_ref, pay_ref):
    gs = gs_ref[...]
    gd = gd_ref[...]
    u = gs[:, :16] * gd[:, :16]
    xlg = gs[:, 16:_CW]
    xe = jax.nn.sigmoid(
        jnp.dot(u, w1e_ref[...], preferred_element_type=jnp.float32)
        + b1e_ref[...])
    ea = jnp.dot(xe, we_ref[...], preferred_element_type=jnp.float32)
    mm = (gs + gd)[:, 16:_CW] + ea
    m = jnp.maximum(mm, 0.2 * mm)
    aw = m * att_ref[...]
    alpha = jnp.dot(aw, sel_ref[...], preferred_element_type=jnp.float32)
    ex = jnp.exp(alpha)
    sl0 = jnp.sum(xlg[:, :_HID], axis=1, keepdims=True)
    sl1 = jnp.sum(xlg[:, _HID:], axis=1, keepdims=True)
    sl = jnp.concatenate([sl0, sl1], axis=-1)
    z = jnp.zeros_like(ex)
    pay_ref[...] = jnp.concatenate([ex * sl, ex, z, z], axis=-1)


def _tc_alpha(gs, gd, W1e, b1e, c1_We, c1_att):
    e1p = gs.shape[0]
    EBK = 4096
    nk = e1p // EBK
    attv = c1_att.reshape(1, _HEADS * _HID)
    sel = jnp.repeat(jnp.eye(_HEADS, dtype=jnp.float32), _HID, axis=0)
    return pl.pallas_call(
        _alpha_body,
        grid=(nk,),
        in_specs=[
            pl.BlockSpec((EBK, _CW), lambda k: (k, 0)),
            pl.BlockSpec((EBK, _CW), lambda k: (k, 0)),
            pl.BlockSpec((16, 32), lambda k: (0, 0)),
            pl.BlockSpec((1, 32), lambda k: (0, 0)),
            pl.BlockSpec((32, 64), lambda k: (0, 0)),
            pl.BlockSpec((1, 64), lambda k: (0, 0)),
            pl.BlockSpec((64, _HEADS), lambda k: (0, 0)),
        ],
        out_specs=pl.BlockSpec((EBK, _PW), lambda k: (k, 0)),
        out_shape=jax.ShapeDtypeStruct((e1p, _PW), jnp.float32),
    )(gs, gd, W1e, b1e.reshape(1, 32), c1_We, attv, sel)


def _sc_l1_scatter_body(dst_hbm, pay_hbm, zero_hbm, out_hbm,
                        idx_d2, pay, acc):
    cid = lax.axis_index("c")
    sid = lax.axis_index("s")
    wid = sid * _NC + cid
    nchunk = dst_hbm.shape[0] // (_NW * _EBO)

    @pl.when(sid == 0)
    def _():
        pltpu.sync_copy(zero_hbm, acc)

    plsc.subcore_barrier()

    def chunk(g, carry):
        base = (wid * nchunk + g) * _EBO
        for q in range(_NSUB):
            pltpu.sync_copy(dst_hbm.at[pl.ds(base + q * _EB, _EB)],
                            idx_d2.at[q])
        pltpu.sync_copy(pay_hbm.at[pl.ds(base, _EBO)], pay)
        for q in range(_NSUB):
            pltpu.sync_copy(pay.at[pl.ds(q * _EB, _EB)],
                            acc.at[idx_d2.at[q]], add=True)
        return carry

    lax.fori_loop(0, nchunk, chunk, 0)
    plsc.subcore_barrier()

    @pl.when(sid == 0)
    def _():
        pltpu.sync_copy(acc, out_hbm.at[cid])


def _sc_l1_scatter(dstp, pay, n_acc):
    mesh = plsc.VectorSubcoreMesh(core_axis_name="c", subcore_axis_name="s")
    zero = jnp.zeros((n_acc, _PW), jnp.float32)
    fn = pl.kernel(
        _sc_l1_scatter_body,
        out_type=jax.ShapeDtypeStruct((_NC, n_acc, _PW), jnp.float32),
        mesh=mesh,
        scratch_types=[
            pltpu.VMEM((_NSUB, _EB), jnp.int32),
            pltpu.VMEM((_EBO, _PW), jnp.float32),
            pltpu.VMEM_SHARED((n_acc, _PW), jnp.float32),
        ],
        compiler_params=pltpu.CompilerParams(
            needs_layout_passes=False, use_tc_tiling_on_sc=False),
    )
    return fn(dstp, pay, zero)


def _sc_l2_body(src_hbm, dst_hbm, yl_hbm, yr_hbm, att_hbm, zero_hbm, out_hbm,
                idx_s, idx_d, ylv, yrv, pay, att_v, acc, sem1, sem2):
    cid = lax.axis_index("c")
    sid = lax.axis_index("s")
    wid = sid * _NC + cid
    nchunk = src_hbm.shape[0] // (_NW * _EB)
    iot = lax.iota(jnp.int32, _L)

    @pl.when(sid == 0)
    def _():
        pltpu.sync_copy(zero_hbm, acc)

    pltpu.sync_copy(att_hbm, att_v)
    plsc.subcore_barrier()

    def chunk(g, carry):
        base = (wid * nchunk + g) * _EB
        pltpu.sync_copy(src_hbm.at[pl.ds(base, _EB)], idx_s)
        pltpu.sync_copy(dst_hbm.at[pl.ds(base, _EB)], idx_d)
        cp1 = pltpu.async_copy(yl_hbm.at[idx_s], ylv, sem1)
        cp2 = pltpu.async_copy(yr_hbm.at[idx_d], yrv, sem2)
        cp1.wait()
        cp2.wait()

        def group(j, carry2):
            rows = j * _L + iot
            col0 = jnp.zeros((_L,), jnp.int32)

            def ch(c, ac):
                a, sl = ac
                cc = col0 + c
                ylc = plsc.load_gather(ylv, [rows, cc])
                yrc = plsc.load_gather(yrv, [rows, cc])
                attc = plsc.load_gather(att_v, [cc])
                z = ylc + yrc
                m = jnp.maximum(z, 0.2 * z)
                return (a + m * attc, sl + ylc)

            a, sl = lax.fori_loop(
                0, _HID, ch,
                (jnp.zeros((_L,), jnp.float32), jnp.zeros((_L,), jnp.float32)))
            ex = jnp.exp(a)
            plsc.store_scatter(pay, [rows, col0], ex * sl)
            plsc.store_scatter(pay, [rows, col0 + 1], ex)
            return carry2

        lax.fori_loop(0, _EB // _L, group, 0)
        pltpu.sync_copy(pay, acc.at[idx_d], add=True)
        return carry

    lax.fori_loop(0, nchunk, chunk, 0)
    plsc.subcore_barrier()

    @pl.when(sid == 0)
    def _():
        pltpu.sync_copy(acc, out_hbm.at[cid])


def _sc_l2(src2p, dst2p, yl, yr, att, n_acc):
    mesh = plsc.VectorSubcoreMesh(core_axis_name="c", subcore_axis_name="s")
    zero = jnp.zeros((n_acc, _PW), jnp.float32)
    fn = pl.kernel(
        _sc_l2_body,
        out_type=jax.ShapeDtypeStruct((_NC, n_acc, _PW), jnp.float32),
        mesh=mesh,
        scratch_types=[
            pltpu.VMEM((_EB,), jnp.int32),
            pltpu.VMEM((_EB,), jnp.int32),
            pltpu.VMEM((_EB, _HID), jnp.float32),
            pltpu.VMEM((_EB, _HID), jnp.float32),
            pltpu.VMEM((_EB, _PW), jnp.float32),
            pltpu.VMEM((_HID,), jnp.float32),
            pltpu.VMEM_SHARED((n_acc, _PW), jnp.float32),
            pltpu.SemaphoreType.DMA,
            pltpu.SemaphoreType.DMA,
        ],
        compiler_params=pltpu.CompilerParams(
            needs_layout_passes=False, use_tc_tiling_on_sc=False),
    )
    return fn(src2p, dst2p, yl, yr, att, zero)


def _head_body(xn_ref, w3_ref, b3_ref, w4_ref, b4_ref, o_ref):
    k = pl.program_id(0)
    h = jnp.dot(xn_ref[...], w3_ref[...], preferred_element_type=jnp.float32)
    h = jnp.maximum(h + b3_ref[...], 0.0)
    p = jnp.dot(h, w4_ref[...], preferred_element_type=jnp.float32)

    @pl.when(k == 0)
    def _():
        o_ref[...] = p + b4_ref[...]

    @pl.when(k != 0)
    def _():
        o_ref[...] = o_ref[...] + p


def _dense_head(xn, W3, b3, W4, b4):
    B = xn.shape[0]
    G = W3.shape[0]
    C = W4.shape[1]
    GP = ((G + 511) // 512) * 512
    W3p = jnp.pad(W3, ((0, 0), (0, GP - G)))
    b3p = jnp.pad(b3.reshape(1, G), ((0, 0), (0, GP - G)))
    W4p = jnp.pad(W4, ((0, GP - G), (0, 0)))
    KB = 512
    nk = GP // KB
    return pl.pallas_call(
        _head_body,
        grid=(nk,),
        in_specs=[
            pl.BlockSpec((B, G), lambda k: (0, 0)),
            pl.BlockSpec((G, KB), lambda k: (0, k)),
            pl.BlockSpec((1, KB), lambda k: (0, k)),
            pl.BlockSpec((KB, C), lambda k: (k, 0)),
            pl.BlockSpec((1, C), lambda k: (0, 0)),
        ],
        out_specs=pl.BlockSpec((B, C), lambda k: (0, 0)),
        out_shape=jax.ShapeDtypeStruct((B, C), jnp.float32),
    )(xn, W3p, b3p, W4p, b4.reshape(1, C))


def kernel(x, edge_index, edge_tf, batch, W1x, b1x, W1e, b1e, c1_Wl, c1_bl,
           c1_Wr, c1_br, c1_We, c1_att, c1_bias, W2, b2, c2_Wl, c2_bl, c2_Wr,
           c2_br, c2_att, c2_bias, ln_g, ln_b, W3, b3, W4, b4):
    N = x.shape[0]
    B = N // _NUM_NODES
    n_acc = ((N + 1 + 15) // 16) * 16

    E1 = edge_index.shape[1]
    e1p = ((E1 + _NW * _EBO - 1) // (_NW * _EBO)) * (_NW * _EBO)
    srcp = jnp.pad(edge_index[0], (0, e1p - E1))
    dstp = jnp.pad(edge_index[1], (0, e1p - E1), constant_values=N)

    xh = jax.nn.sigmoid(x @ W1x + b1x)
    xl = xh @ c1_Wl + c1_bl
    xr = xh @ c1_Wr + c1_br
    catS = jnp.concatenate([x, xl], axis=1)
    catD = jnp.concatenate([x, xr], axis=1)

    gs, gd = _sc_l1_gather(srcp, dstp, catS, catD)
    pay1 = _tc_alpha(gs, gd, W1e, b1e, c1_We, c1_att)
    parts1 = _sc_l1_scatter(dstp, pay1, n_acc)
    nd1 = parts1[0] + parts1[1]
    x1 = ((nd1[:N, 0] / (nd1[:N, 2] + 1e-16)
           + nd1[:N, 1] / (nd1[:N, 3] + 1e-16)) / (_HEADS * _HID)
          + jnp.mean(c1_bias)).reshape(B, _NUM_NODES)

    xt = jax.nn.sigmoid(x1.reshape(N, 1) @ W2 + b2)
    yl2 = xt @ c2_Wl + c2_bl
    yr2 = xt @ c2_Wr + c2_br

    E2 = edge_tf.shape[1]
    e2p = ((E2 + _NW * _EB - 1) // (_NW * _EB)) * (_NW * _EB)
    src2p = jnp.pad(edge_tf[0], (0, e2p - E2))
    dst2p = jnp.pad(edge_tf[1], (0, e2p - E2), constant_values=N)
    att2 = c2_att.reshape(_HID)

    parts = _sc_l2(src2p, dst2p, yl2, yr2, att2, n_acc)
    nd = parts[0] + parts[1]
    num2 = nd[:N, 0]
    den2 = nd[:N, 1]
    out2_mean = num2 / (den2 + 1e-16) / _HID + jnp.mean(c2_bias)
    x2 = x1 + out2_mean.reshape(B, _NUM_NODES)

    xg = x2[:, :_NUM_GENE]
    mu = xg.mean(axis=-1, keepdims=True)
    var = xg.var(axis=-1, keepdims=True)
    xn = (xg - mu) / jnp.sqrt(var + 1e-5) * ln_g + ln_b
    return _dense_head(xn, W3, b3, W4, b4)

# --- scband reference (transcript-rebuilt; emitter-appended) ---
"""Pipeline reference for scband-scre-gat-21706764714401 (READ-ONLY COPY).

The authoritative reference and input builder live on the scoring server;
editing this copy changes nothing except your own understanding.
"""

import jax, jax.numpy as jnp
import numpy as np

NUM_NODES = 10000
NUM_GENE = 4000
NUM_CELLTYPE = 20
IN_CH = 16
HID = 32
HEADS = 2
BATCH = 5
N_TOTAL = BATCH * NUM_NODES
E1 = 800000
E2 = 800000


def segment_softmax(alpha, index, num_segments):
    amax = jax.ops.segment_max(alpha, index, num_segments=num_segments)
    amax = jnp.where(jnp.isfinite(amax), amax, 0.0)
    ex = jnp.exp(alpha - amax[index])
    denom = jax.ops.segment_sum(ex, index, num_segments=num_segments)
    return ex / (denom[index] + 1e-16)


def setup_inputs(seed: int = 0):
    key = jax.random.key(seed)
    ks = jax.random.split(key, 32)
    s = 0.1
    inp = {}
    inp['x'] = jax.random.normal(ks[0], (N_TOTAL, IN_CH), dtype=jnp.float32)
    inp['edge_index'] = jax.random.randint(ks[1], (2, E1), 0, N_TOTAL, dtype=jnp.int32)
    inp['edge_tf'] = jax.random.randint(ks[2], (2, E2), 0, N_TOTAL, dtype=jnp.int32)
    inp['batch'] = jnp.sort(jax.random.randint(ks[3], (N_TOTAL,), 0, BATCH, dtype=jnp.int32))
    inp['W1x'] = jax.random.normal(ks[4], (IN_CH, HID), dtype=jnp.float32) * s
    inp['b1x'] = jnp.zeros((HID,), dtype=jnp.float32)
    inp['W1e'] = jax.random.normal(ks[5], (IN_CH, HID), dtype=jnp.float32) * s
    inp['b1e'] = jnp.zeros((HID,), dtype=jnp.float32)
    inp['c1_Wl'] = jax.random.normal(ks[6], (HID, HEADS * HID), dtype=jnp.float32) * s
    inp['c1_bl'] = jnp.zeros((HEADS * HID,), dtype=jnp.float32)
    inp['c1_Wr'] = jax.random.normal(ks[7], (HID, HEADS * HID), dtype=jnp.float32) * s
    inp['c1_br'] = jnp.zeros((HEADS * HID,), dtype=jnp.float32)
    inp['c1_We'] = jax.random.normal(ks[8], (HID, HEADS * HID), dtype=jnp.float32) * s
    inp['c1_att'] = jax.random.normal(ks[9], (1, HEADS, HID), dtype=jnp.float32) * s
    inp['c1_bias'] = jnp.zeros((HEADS * HID,), dtype=jnp.float32)
    inp['W2'] = jax.random.normal(ks[10], (1, HID), dtype=jnp.float32) * s
    inp['b2'] = jnp.zeros((HID,), dtype=jnp.float32)
    inp['c2_Wl'] = jax.random.normal(ks[11], (HID, HID), dtype=jnp.float32) * s
    inp['c2_bl'] = jnp.zeros((HID,), dtype=jnp.float32)
    inp['c2_Wr'] = jax.random.normal(ks[12], (HID, HID), dtype=jnp.float32) * s
    inp['c2_br'] = jnp.zeros((HID,), dtype=jnp.float32)
    inp['c2_att'] = jax.random.normal(ks[13], (1, 1, HID), dtype=jnp.float32) * s
    inp['c2_bias'] = jnp.zeros((HID,), dtype=jnp.float32)
    inp['ln_g'] = jnp.ones((NUM_GENE,), dtype=jnp.float32)
    inp['ln_b'] = jnp.zeros((NUM_GENE,), dtype=jnp.float32)
    inp['W3'] = jax.random.normal(ks[14], (NUM_GENE, NUM_GENE), dtype=jnp.float32) * 0.01
    inp['b3'] = jnp.zeros((NUM_GENE,), dtype=jnp.float32)
    inp['W4'] = jax.random.normal(ks[15], (NUM_GENE, NUM_CELLTYPE), dtype=jnp.float32) * 0.01
    inp['b4'] = jnp.zeros((NUM_CELLTYPE,), dtype=jnp.float32)
    return inp


def reference(x, edge_index, edge_tf, batch, W1x, b1x, W1e, b1e, c1_Wl, c1_bl, c1_Wr, c1_br, c1_We, c1_att, c1_bias, W2, b2, c2_Wl, c2_bl, c2_Wr, c2_br, c2_att, c2_bias, ln_g, ln_b, W3, b3, W4, b4):
    N = x.shape[0]
    B = N // NUM_NODES
    src, dst = edge_index[0], edge_index[1]
    x_edge = x[src] * x[dst]
    xh = jax.nn.sigmoid(x @ W1x + b1x)
    xe = jax.nn.sigmoid(x_edge @ W1e + b1e)
    xl = (xh @ c1_Wl + c1_bl).reshape(N, HEADS, HID)
    xr = (xh @ c1_Wr + c1_br).reshape(N, HEADS, HID)
    ea = (xe @ c1_We).reshape(-1, HEADS, HID)
    m = jax.nn.leaky_relu(xr[dst] + xl[src] + ea, 0.2)
    alpha = (m * c1_att).sum(-1)
    alpha = segment_softmax(alpha, dst, N)
    out = jax.ops.segment_sum(xl[src] * alpha[:, :, None], dst, num_segments=N)
    out = out.reshape(N, HEADS * HID) + c1_bias
    x1 = out.reshape(B, NUM_NODES, -1).mean(axis=-1)
    xt = jax.nn.sigmoid(x1.reshape(N, 1) @ W2 + b2)
    src2, dst2 = edge_tf[0], edge_tf[1]
    yl = (xt @ c2_Wl + c2_bl).reshape(N, 1, HID)
    yr = (xt @ c2_Wr + c2_br).reshape(N, 1, HID)
    m2 = jax.nn.leaky_relu(yr[dst2] + yl[src2], 0.2)
    a2 = (m2 * c2_att).sum(-1)
    a2 = segment_softmax(a2, dst2, N)
    out2 = jax.ops.segment_sum(yl[src2] * a2[:, :, None], dst2, num_segments=N)
    out2 = out2.reshape(N, HID) + c2_bias
    x2 = x1 + out2.reshape(B, NUM_NODES, -1).mean(axis=-1)
    xg = x2[:, :NUM_GENE]
    mu = xg.mean(axis=-1, keepdims=True)
    var = xg.var(axis=-1, keepdims=True)
    xn = (xg - mu) / jnp.sqrt(var + 1e-5) * ln_g + ln_b
    h = jax.nn.relu(xn @ W3 + b3)
    return h @ W4 + b4

if __name__ == "__main__":
    import jax
    _d = setup_inputs()
    print(jax.jit(kernel)(*tuple(_d.values())))

</pallas_src>

<mosaic_0001>
#map = affine_map<(d0, d1) -> (0)>
#map1 = affine_map<(d0, d1) -> (0, 0)>
#map2 = affine_map<(d0, d1) -> (0, 0, 0)>
module attributes {stable_mosaic.version = 14 : i64} {
  func.func @_sc_l1_scatter_body(%arg0: i32, %arg1: i32, %arg2: memref<802816xi32, #tpu.memory_space<hbm>>, %arg3: memref<802816x8xf32, #tpu.memory_space<hbm>>, %arg4: memref<50016x8xf32, #tpu.memory_space<hbm>>, %arg5: memref<2x50016x8xf32, #tpu.memory_space<hbm>>, %arg6: memref<4x128xi32, #tpu.memory_space<vmem>>, %arg7: memref<512x8xf32, #tpu.memory_space<vmem>>, %arg8: memref<50016x8xf32, #tpu.memory_space<vmem_shared>>) attributes {dimension_semantics = [#tpu.dimension_semantics<core_parallel>, #tpu.dimension_semantics<subcore_parallel>], iteration_bounds = array<i64: 2, 16>, scalar_prefetch = 0 : i64, scratch_operands = 3 : i64, tpu.core_type = #tpu.core_type<sc_vector_subcore>, window_params = [{transform_indices = #map}, {transform_indices = #map1}, {transform_indices = #map1}, {transform_indices = #map2}]} {
    %mul3A = arith.constant 2 : i32
    %mul3A_0 = arith.muli %arg1, %mul3A : i32
    %add3A = arith.addi %mul3A_0, %arg0 : i32
    %eq3A = arith.constant 0 : i32
    %eq3A_1 = arith.cmpi eq, %arg1, %eq3A : i32
    %convert_element_type3A = arith.extui %eq3A_1 : i1 to i32
    %cond3A = arith.constant 0 : i32
    %cond3A_2 = arith.cmpi ne, %convert_element_type3A, %cond3A : i32
    scf.if %cond3A_2 {
      "tpu.region"() ({
        %run_scoped3A = tpu.sem_alloc : memref<!tpu.dma_semaphore, #tpu.memory_space<semaphore_mem>>
        tpu.enqueue_dma source(%arg4 : memref<50016x8xf32, #tpu.memory_space<hbm>>) target(%arg8 : memref<50016x8xf32, #tpu.memory_space<vmem_shared>>) target_semaphore(%run_scoped3A : memref<!tpu.dma_semaphore, #tpu.memory_space<semaphore_mem>>)
        tpu.wait_dma2 semaphore(%run_scoped3A : memref<!tpu.dma_semaphore, #tpu.memory_space<semaphore_mem>>) src(%arg4 : memref<50016x8xf32, #tpu.memory_space<hbm>>) dst(%arg8 : memref<50016x8xf32, #tpu.memory_space<vmem_shared>>)
        tpu.yield
      }) : () -> ()
    } else {
    }
    %barrier3A = arith.constant 0 : index
    tpu.barrier barrier_id(%barrier3A)
    %scan3A = arith.constant 0 : i32
    %scan3A_3 = arith.constant 0 : i32
    %scan3A_4 = arith.constant 49 : i32
    %scan3A_5 = arith.addi %scan3A_3, %scan3A_4 : i32
    %scan3A_6 = arith.constant 1 : i32
    scf.for %scan3A_14 = %scan3A_3 to %scan3A_5 step %scan3A_6  : i32 {
      %mul3A_15 = arith.constant 49 : i32
      %mul3A_16 = arith.muli %add3A, %mul3A_15 : i32
      %add3A_17 = arith.addi %mul3A_16, %scan3A_14 : i32
      %mul3A_18 = arith.constant 512 : i32
      %mul3A_19 = arith.muli %add3A_17, %mul3A_18 : i32
      %add3A_20 = arith.constant 0 : i32
      %add3A_21 = arith.addi %mul3A_19, %add3A_20 : i32
      %run_scoped3A = arith.constant 0 : i32
      "tpu.region"() ({
        %run_scoped3A_35 = tpu.sem_alloc : memref<!tpu.dma_semaphore, #tpu.memory_space<semaphore_mem>>
        %dma_start3A = arith.constant 0 : i32
        %dma_start3A_36 = tpu.memref_slice %arg6[%run_scoped3A, %dma_start3A] : memref<4x128xi32, #tpu.memory_space<vmem>> -> memref<1x128xi32, #tpu.memory_space<vmem>>
        %dma_start3A_37 = tpu.memref_squeeze %dma_start3A_36 : memref<1x128xi32, #tpu.memory_space<vmem>> -> memref<128xi32, #tpu.memory_space<vmem>>
        %dma_start3A_38 = tpu.memref_slice %arg2[%add3A_21] : memref<802816xi32, #tpu.memory_space<hbm>> -> memref<128xi32, #tpu.memory_space<hbm>>
        %dma_start3A_39 = arith.constant 0 : i32
        %dma_start3A_40 = tpu.memref_slice %arg6[%run_scoped3A, %dma_start3A_39] : memref<4x128xi32, #tpu.memory_space<vmem>> -> memref<1x128xi32, #tpu.memory_space<vmem>>
        %dma_start3A_41 = tpu.memref_squeeze %dma_start3A_40 : memref<1x128xi32, #tpu.memory_space<vmem>> -> memref<128xi32, #tpu.memory_space<vmem>>
        %dma_start3A_42 = tpu.memref_slice %arg2[%add3A_21] : memref<802816xi32, #tpu.memory_space<hbm>> -> memref<128xi32, #tpu.memory_space<hbm>>
        tpu.enqueue_dma source(%dma_start3A_42 : memref<128xi32, #tpu.memory_space<hbm>>) target(%dma_start3A_41 : memref<128xi32, #tpu.memory_space<vmem>>) target_semaphore(%run_scoped3A_35 : memref<!tpu.dma_semaphore, #tpu.memory_space<semaphore_mem>>)
        %dma_wait3A = arith.constant 0 : i32
        %dma_wait3A_43 = tpu.memref_slice %arg6[%run_scoped3A, %dma_wait3A] : memref<4x128xi32, #tpu.memory_space<vmem>> -> memref<1x128xi32, #tpu.memory_space<vmem>>
        %dma_wait3A_44 = tpu.memref_squeeze %dma_wait3A_43 : memref<1x128xi32, #tpu.memory_space<vmem>> -> memref<128xi32, #tpu.memory_space<vmem>>
        %dma_wait3A_45 = tpu.memref_slice %arg2[%add3A_21] : memref<802816xi32, #tpu.memory_space<hbm>> -> memref<128xi32, #tpu.memory_space<hbm>>
        %dma_wait3A_46 = arith.constant 0 : i32
        %dma_wait3A_47 = tpu.memref_slice %arg6[%run_scoped3A, %dma_wait3A_46] : memref<4x128xi32, #tpu.memory_space<vmem>> -> memref<1x128xi32, #tpu.memory_space<vmem>>
        %dma_wait3A_48 = tpu.memref_squeeze %dma_wait3A_47 : memref<1x128xi32, #tpu.memory_space<vmem>> -> memref<128xi32, #tpu.memory_space<vmem>>
        %dma_wait3A_49 = tpu.memref_slice %arg2[%add3A_21] : memref<802816xi32, #tpu.memory_space<hbm>> -> memref<128xi32, #tpu.memory_space<hbm>>
        tpu.wait_dma2 semaphore(%run_scoped3A_35 : memref<!tpu.dma_semaphore, #tpu.memory_space<semaphore_mem>>) src(%dma_wait3A_49 : memref<128xi32, #tpu.memory_space<hbm>>) dst(%dma_wait3A_48 : memref<128xi32, #tpu.memory_space<vmem>>)
        tpu.yield
      }) : () -> ()
      %add3A_22 = arith.constant 128 : i32
      %add3A_23 = arith.addi %mul3A_19, %add3A_22 : i32
      %run_scoped3A_24 = arith.constant 1 : i32
      "tpu.region"() ({
        %run_scoped3A_35 = tpu.sem_alloc : memref<!tpu.dma_semaphore, #tpu.memory_space<semaphore_mem>>
        %dma_start3A = arith.constant 0 : i32
        %dma_start3A_36 = tpu.memref_slice %arg6[%run_scoped3A_24, %dma_start3A] : memref<4x128xi32, #tpu.memory_space<vmem>> -> memref<1x128xi32, #tpu.memory_space<vmem>>
        %dma_start3A_37 = tpu.memref_squeeze %dma_start3A_36 : memref<1x128xi32, #tpu.memory_space<vmem>> -> memref<128xi32, #tpu.memory_space<vmem>>
        %dma_start3A_38 = tpu.memref_slice %arg2[%add3A_23] : memref<802816xi32, #tpu.memory_space<hbm>> -> memref<128xi32, #tpu.memory_space<hbm>>
        %dma_start3A_39 = arith.constant 0 : i32
        %dma_start3A_40 = tpu.memref_slice %arg6[%run_scoped3A_24, %dma_start3A_39] : memref<4x128xi32, #tpu.memory_space<vmem>> -> memref<1x128xi32, #tpu.memory_space<vmem>>
        %dma_start3A_41 = tpu.memref_squeeze %dma_start3A_40 : memref<1x128xi32, #tpu.memory_space<vmem>> -> memref<128xi32, #tpu.memory_space<vmem>>
        %dma_start3A_42 = tpu.memref_slice %arg2[%add3A_23] : memref<802816xi32, #tpu.memory_space<hbm>> -> memref<128xi32, #tpu.memory_space<hbm>>
        tpu.enqueue_dma source(%dma_start3A_42 : memref<128xi32, #tpu.memory_space<hbm>>) target(%dma_start3A_41 : memref<128xi32, #tpu.memory_space<vmem>>) target_semaphore(%run_scoped3A_35 : memref<!tpu.dma_semaphore, #tpu.memory_space<semaphore_mem>>)
        %dma_wait3A = arith.constant 0 : i32
        %dma_wait3A_43 = tpu.memref_slice %arg6[%run_scoped3A_24, %dma_wait3A] : memref<4x128xi32, #tpu.memory_space<vmem>> -> memref<1x128xi32, #tpu.memory_space<vmem>>
        %dma_wait3A_44 = tpu.memref_squeeze %dma_wait3A_43 : memref<1x128xi32, #tpu.memory_space<vmem>> -> memref<128xi32, #tpu.memory_space<vmem>>
        %dma_wait3A_45 = tpu.memref_slice %arg2[%add3A_23] : memref<802816xi32, #tpu.memory_space<hbm>> -> memref<128xi32, #tpu.memory_space<hbm>>
        %dma_wait3A_46 = arith.constant 0 : i32
        %dma_wait3A_47 = tpu.memref_slice %arg6[%run_scoped3A_24, %dma_wait3A_46] : memref<4x128xi32, #tpu.memory_space<vmem>> -> memref<1x128xi32, #tpu.memory_space<vmem>>
        %dma_wait3A_48 = tpu.memref_squeeze %dma_wait3A_47 : memref<1x128xi32, #tpu.memory_space<vmem>> -> memref<128xi32, #tpu.memory_space<vmem>>
        %dma_wait3A_49 = tpu.memref_slice %arg2[%add3A_23] : memref<802816xi32, #tpu.memory_space<hbm>> -> memref<128xi32, #tpu.memory_space<hbm>>
        tpu.wait_dma2 semaphore(%run_scoped3A_35 : memref<!tpu.dma_semaphore, #tpu.memory_space<semaphore_mem>>) src(%dma_wait3A_49 : memref<128xi32, #tpu.memory_space<hbm>>) dst(%dma_wait3A_48 : memref<128xi32, #tpu.memory_space<vmem>>)
        tpu.yield
      }) : () -> ()
      %add3A_25 = arith.constant 256 : i32
      %add3A_26 = arith.addi %mul3A_19, %add3A_25 : i32
      %run_scoped3A_27 = arith.constant 2 : i32
      "tpu.region"() ({
        %run_scoped3A_35 = tpu.sem_alloc : memref<!tpu.dma_semaphore, #tpu.memory_space<semaphore_mem>>
        %dma_start3A = arith.constant 0 : i32
        %dma_start3A_36 = tpu.memref_slice %arg6[%run_scoped3A_27, %dma_start3A] : memref<4x128xi32, #tpu.memory_space<vmem>> -> memref<1x128xi32, #tpu.memory_space<vmem>>
        %dma_start3A_37 = tpu.memref_squeeze %dma_start3A_36 : memref<1x128xi32, #tpu.memory_space<vmem>> -> memref<128xi32, #tpu.memory_space<vmem>>
        %dma_start3A_38 = tpu.memref_slice %arg2[%add3A_26] : memref<802816xi32, #tpu.memory_space<hbm>> -> memref<128xi32, #tpu.memory_space<hbm>>
        %dma_start3A_39 = arith.constant 0 : i32
        %dma_start3A_40 = tpu.memref_slice %arg6[%run_scoped3A_27, %dma_start3A_39] : memref<4x128xi32, #tpu.memory_space<vmem>> -> memref<1x128xi32, #tpu.memory_space<vmem>>
        %dma_start3A_41 = tpu.memref_squeeze %dma_start3A_40 : memref<1x128xi32, #tpu.memory_space<vmem>> -> memref<128xi32, #tpu.memory_space<vmem>>
        %dma_start3A_42 = tpu.memref_slice %arg2[%add3A_26] : memref<802816xi32, #tpu.memory_space<hbm>> -> memref<128xi32, #tpu.memory_space<hbm>>
        tpu.enqueue_dma source(%dma_start3A_42 : memref<128xi32, #tpu.memory_space<hbm>>) target(%dma_start3A_41 : memref<128xi32, #tpu.memory_space<vmem>>) target_semaphore(%run_scoped3A_35 : memref<!tpu.dma_semaphore, #tpu.memory_space<semaphore_mem>>)
        %dma_wait3A = arith.constant 0 : i32
        %dma_wait3A_43 = tpu.memref_slice %arg6[%run_scoped3A_27, %dma_wait3A] : memref<4x128xi32, #tpu.memory_space<vmem>> -> memref<1x128xi32, #tpu.memory_space<vmem>>
        %dma_wait3A_44 = tpu.memref_squeeze %dma_wait3A_43 : memref<1x128xi32, #tpu.memory_space<vmem>> -> memref<128xi32, #tpu.memory_space<vmem>>
        %dma_wait3A_45 = tpu.memref_slice %arg2[%add3A_26] : memref<802816xi32, #tpu.memory_space<hbm>> -> memref<128xi32, #tpu.memory_space<hbm>>
        %dma_wait3A_46 = arith.constant 0 : i32
        %dma_wait3A_47 = tpu.memref_slice %arg6[%run_scoped3A_27, %dma_wait3A_46] : memref<4x128xi32, #tpu.memory_space<vmem>> -> memref<1x128xi32, #tpu.memory_space<vmem>>
        %dma_wait3A_48 = tpu.memref_squeeze %dma_wait3A_47 : memref<1x128xi32, #tpu.memory_space<vmem>> -> memref<128xi32, #tpu.memory_space<vmem>>
        %dma_wait3A_49 = tpu.memref_slice %arg2[%add3A_26] : memref<802816xi32, #tpu.memory_space<hbm>> -> memref<128xi32, #tpu.memory_space<hbm>>
        tpu.wait_dma2 semaphore(%run_scoped3A_35 : memref<!tpu.dma_semaphore, #tpu.memory_space<semaphore_mem>>) src(%dma_wait3A_49 : memref<128xi32, #tpu.memory_space<hbm>>) dst(%dma_wait3A_48 : memref<128xi32, #tpu.memory_space<vmem>>)
        tpu.yield
      }) : () -> ()
      %add3A_28 = arith.constant 384 : i32
      %add3A_29 = arith.addi %mul3A_19, %add3A_28 : i32
      %run_scoped3A_30 = arith.constant 3 : i32
      "tpu.region"() ({
        %run_scoped3A_35 = tpu.sem_alloc : memref<!tpu.dma_semaphore, #tpu.memory_space<semaphore_mem>>
        %dma_start3A = arith.constant 0 : i32
        %dma_start3A_36 = tpu.memref_slice %arg6[%run_scoped3A_30, %dma_start3A] : memref<4x128xi32, #tpu.memory_space<vmem>> -> memref<1x128xi32, #tpu.memory_space<vmem>>
        %dma_start3A_37 = tpu.memref_squeeze %dma_start3A_36 : memref<1x128xi32, #tpu.memory_space<vmem>> -> memref<128xi32, #tpu.memory_space<vmem>>
        %dma_start3A_38 = tpu.memref_slice %arg2[%add3A_29] : memref<802816xi32, #tpu.memory_space<hbm>> -> memref<128xi32, #tpu.memory_space<hbm>>
        %dma_start3A_39 = arith.constant 0 : i32
        %dma_start3A_40 = tpu.memref_slice %arg6[%run_scoped3A_30, %dma_start3A_39] : memref<4x128xi32, #tpu.memory_space<vmem>> -> memref<1x128xi32, #tpu.memory_space<vmem>>
        %dma_start3A_41 = tpu.memref_squeeze %dma_start3A_40 : memref<1x128xi32, #tpu.memory_space<vmem>> -> memref<128xi32, #tpu.memory_space<vmem>>
        %dma_start3A_42 = tpu.memref_slice %arg2[%add3A_29] : memref<802816xi32, #tpu.memory_space<hbm>> -> memref<128xi32, #tpu.memory_space<hbm>>
        tpu.enqueue_dma source(%dma_start3A_42 : memref<128xi32, #tpu.memory_space<hbm>>) target(%dma_start3A_41 : memref<128xi32, #tpu.memory_space<vmem>>) target_semaphore(%run_scoped3A_35 : memref<!tpu.dma_semaphore, #tpu.memory_space<semaphore_mem>>)
        %dma_wait3A = arith.constant 0 : i32
        %dma_wait3A_43 = tpu.memref_slice %arg6[%run_scoped3A_30, %dma_wait3A] : memref<4x128xi32, #tpu.memory_space<vmem>> -> memref<1x128xi32, #tpu.memory_space<vmem>>
        %dma_wait3A_44 = tpu.memref_squeeze %dma_wait3A_43 : memref<1x128xi32, #tpu.memory_space<vmem>> -> memref<128xi32, #tpu.memory_space<vmem>>
        %dma_wait3A_45 = tpu.memref_slice %arg2[%add3A_29] : memref<802816xi32, #tpu.memory_space<hbm>> -> memref<128xi32, #tpu.memory_space<hbm>>
        %dma_wait3A_46 = arith.constant 0 : i32
        %dma_wait3A_47 = tpu.memref_slice %arg6[%run_scoped3A_30, %dma_wait3A_46] : memref<4x128xi32, #tpu.memory_space<vmem>> -> memref<1x128xi32, #tpu.memory_space<vmem>>
        %dma_wait3A_48 = tpu.memref_squeeze %dma_wait3A_47 : memref<1x128xi32, #tpu.memory_space<vmem>> -> memref<128xi32, #tpu.memory_space<vmem>>
        %dma_wait3A_49 = tpu.memref_slice %arg2[%add3A_29] : memref<802816xi32, #tpu.memory_space<hbm>> -> memref<128xi32, #tpu.memory_space<hbm>>
        tpu.wait_dma2 semaphore(%run_scoped3A_35 : memref<!tpu.dma_semaphore, #tpu.memory_space<semaphore_mem>>) src(%dma_wait3A_49 : memref<128xi32, #tpu.memory_space<hbm>>) dst(%dma_wait3A_48 : memref<128xi32, #tpu.memory_space<vmem>>)
        tpu.yield
      }) : () -> ()
      "tpu.region"() ({
        %run_scoped3A_35 = tpu.sem_alloc : memref<!tpu.dma_semaphore, #tpu.memory_space<semaphore_mem>>
        %dma_start3A = arith.constant 0 : i32
        %dma_start3A_36 = tpu.memref_slice %arg3[%mul3A_19, %dma_start3A] : memref<802816x8xf32, #tpu.memory_space<hbm>> -> memref<512x8xf32, #tpu.memory_space<hbm>>
        %dma_start3A_37 = arith.constant 0 : i32
        %dma_start3A_38 = tpu.memref_slice %arg3[%mul3A_19, %dma_start3A_37] : memref<802816x8xf32, #tpu.memory_space<hbm>> -> memref<512x8xf32, #tpu.memory_space<hbm>>
        tpu.enqueue_dma source(%dma_start3A_38 : memref<512x8xf32, #tpu.memory_space<hbm>>) target(%arg7 : memref<512x8xf32, #tpu.memory_space<vmem>>) target_semaphore(%run_scoped3A_35 : memref<!tpu.dma_semaphore, #tpu.memory_space<semaphore_mem>>)
        %dma_wait3A = arith.constant 0 : i32
        %dma_wait3A_39 = tpu.memref_slice %arg3[%mul3A_19, %dma_wait3A] : memref<802816x8xf32, #tpu.memory_space<hbm>> -> memref<512x8xf32, #tpu.memory_space<hbm>>
        %dma_wait3A_40 = arith.constant 0 : i32
        %dma_wait3A_41 = tpu.memref_slice %arg3[%mul3A_19, %dma_wait3A_40] : memref<802816x8xf32, #tpu.memory_space<hbm>> -> memref<512x8xf32, #tpu.memory_space<hbm>>
        tpu.wait_dma2 semaphore(%run_scoped3A_35 : memref<!tpu.dma_semaphore, #tpu.memory_space<semaphore_mem>>) src(%dma_wait3A_41 : memref<512x8xf32, #tpu.memory_space<hbm>>) dst(%arg7 : memref<512x8xf32, #tpu.memory_space<vmem>>)
        tpu.yield
      }) : () -> ()
      %run_scoped3A_31 = arith.constant 0 : i32
      "tpu.region"() ({
        %run_scoped3A_35 = tpu.sem_alloc : memref<!tpu.dma_semaphore, #tpu.memory_space<semaphore_mem>>
        %dma_start3A = arith.constant 0 : i32
        %dma_start3A_36 = arith.constant 0 : i32
        %dma_start3A_37 = tpu.memref_slice %arg7[%dma_start3A, %dma_start3A_36] : memref<512x8xf32, #tpu.memory_space<vmem>> -> memref<128x8xf32, #tpu.memory_space<vmem>>
        %dma_start3A_38 = arith.constant 0 : i32
        %dma_start3A_39 = tpu.memref_slice %arg6[%run_scoped3A_31, %dma_start3A_38] : memref<4x128xi32, #tpu.memory_space<vmem>> -> memref<1x128xi32, #tpu.memory_space<vmem>>
        %dma_start3A_40 = tpu.memref_squeeze %dma_start3A_39 : memref<1x128xi32, #tpu.memory_space<vmem>> -> memref<128xi32, #tpu.memory_space<vmem>>
        %dma_start3A_41 = arith.constant 0 : i32
        %dma_start3A_42 = arith.constant 0 : i32
        %dma_start3A_43 = tpu.memref_slice %arg8[%dma_start3A_41, %dma_start3A_42] : memref<50016x8xf32, #tpu.memory_space<vmem_shared>> -> memref<50016x8xf32, #tpu.memory_space<vmem_shared>>
        tpu.enqueue_indirect_dma source(%dma_start3A_37 : memref<128x8xf32, #tpu.memory_space<vmem>>) target(%dma_start3A_43 : memref<50016x8xf32, #tpu.memory_space<vmem_shared>>) offsets(%dma_start3A_40 : memref<128xi32, #tpu.memory_space<vmem>>) semaphore(%run_scoped3A_35 : memref<!tpu.dma_semaphore, #tpu.memory_space<semaphore_mem>>) {add = true}
        %dma_wait3A = arith.constant 0 : i32
        %dma_wait3A_44 = arith.constant 0 : i32
        %dma_wait3A_45 = tpu.memref_slice %arg7[%dma_wait3A, %dma_wait3A_44] : memref<512x8xf32, #tpu.memory_space<vmem>> -> memref<128x8xf32, #tpu.memory_space<vmem>>
        %dma_wait3A_46 = arith.constant 0 : i32
        %dma_wait3A_47 = tpu.memref_slice %arg6[%run_scoped3A_31, %dma_wait3A_46] : memref<4x128xi32, #tpu.memory_space<vmem>> -> memref<1x128xi32, #tpu.memory_space<vmem>>
        %dma_wait3A_48 = tpu.memref_squeeze %dma_wait3A_47 : memref<1x128xi32, #tpu.memory_space<vmem>> -> memref<128xi32, #tpu.memory_space<vmem>>
        %dma_wait3A_49 = arith.constant 0 : i32
        %dma_wait3A_50 = arith.constant 0 : i32
        %dma_wait3A_51 = tpu.memref_slice %arg8[%dma_wait3A_49, %dma_wait3A_50] : memref<50016x8xf32, #tpu.memory_space<vmem_shared>> -> memref<50016x8xf32, #tpu.memory_space<vmem_shared>>
        tpu.wait_indirect_dma semaphore(%run_scoped3A_35 : memref<!tpu.dma_semaphore, #tpu.memory_space<semaphore_mem>>) src(%dma_wait3A_45 : memref<128x8xf32, #tpu.memory_space<vmem>>) dst(%dma_wait3A_51 : memref<50016x8xf32, #tpu.memory_space<vmem_shared>>)
        tpu.yield
      }) : () -> ()
      %run_scoped3A_32 = arith.constant 1 : i32
      "tpu.region"() ({
        %run_scoped3A_35 = tpu.sem_alloc : memref<!tpu.dma_semaphore, #tpu.memory_space<semaphore_mem>>
        %dma_start3A = arith.constant 128 : i32
        %dma_start3A_36 = arith.constant 0 : i32
        %dma_start3A_37 = tpu.memref_slice %arg7[%dma_start3A, %dma_start3A_36] : memref<512x8xf32, #tpu.memory_space<vmem>> -> memref<128x8xf32, #tpu.memory_space<vmem>>
        %dma_start3A_38 = arith.constant 0 : i32
        %dma_start3A_39 = tpu.memref_slice %arg6[%run_scoped3A_32, %dma_start3A_38] : memref<4x128xi32, #tpu.memory_space<vmem>> -> memref<1x128xi32, #tpu.memory_space<vmem>>
        %dma_start3A_40 = tpu.memref_squeeze %dma_start3A_39 : memref<1x128xi32, #tpu.memory_space<vmem>> -> memref<128xi32, #tpu.memory_space<vmem>>
        %dma_start3A_41 = arith.constant 0 : i32
        %dma_start3A_42 = arith.constant 0 : i32
        %dma_start3A_43 = tpu.memref_slice %arg8[%dma_start3A_41, %dma_start3A_42] : memref<50016x8xf32, #tpu.memory_space<vmem_shared>> -> memref<50016x8xf32, #tpu.memory_space<vmem_shared>>
        tpu.enqueue_indirect_dma source(%dma_start3A_37 : memref<128x8xf32, #tpu.memory_space<vmem>>) target(%dma_start3A_43 : memref<50016x8xf32, #tpu.memory_space<vmem_shared>>) offsets(%dma_start3A_40 : memref<128xi32, #tpu.memory_space<vmem>>) semaphore(%run_scoped3A_35 : memref<!tpu.dma_semaphore, #tpu.memory_space<semaphore_mem>>) {add = true}
        %dma_wait3A = arith.constant 128 : i32
        %dma_wait3A_44 = arith.constant 0 : i32
        %dma_wait3A_45 = tpu.memref_slice %arg7[%dma_wait3A, %dma_wait3A_44] : memref<512x8xf32, #tpu.memory_space<vmem>> -> memref<128x8xf32, #tpu.memory_space<vmem>>
        %dma_wait3A_46 = arith.constant 0 : i32
        %dma_wait3A_47 = tpu.memref_slice %arg6[%run_scoped3A_32, %dma_wait3A_46] : memref<4x128xi32, #tpu.memory_space<vmem>> -> memref<1x128xi32, #tpu.memory_space<vmem>>
        %dma_wait3A_48 = tpu.memref_squeeze %dma_wait3A_47 : memref<1x128xi32, #tpu.memory_space<vmem>> -> memref<128xi32, #tpu.memory_space<vmem>>
        %dma_wait3A_49 = arith.constant 0 : i32
        %dma_wait3A_50 = arith.constant 0 : i32
        %dma_wait3A_51 = tpu.memref_slice %arg8[%dma_wait3A_49, %dma_wait3A_50] : memref<50016x8xf32, #tpu.memory_space<vmem_shared>> -> memref<50016x8xf32, #tpu.memory_space<vmem_shared>>
        tpu.wait_indirect_dma semaphore(%run_scoped3A_35 : memref<!tpu.dma_semaphore, #tpu.memory_space<semaphore_mem>>) src(%dma_wait3A_45 : memref<128x8xf32, #tpu.memory_space<vmem>>) dst(%dma_wait3A_51 : memref<50016x8xf32, #tpu.memory_space<vmem_shared>>)
        tpu.yield
      }) : () -> ()
      %run_scoped3A_33 = arith.constant 2 : i32
      "tpu.region"() ({
        %run_scoped3A_35 = tpu.sem_alloc : memref<!tpu.dma_semaphore, #tpu.memory_space<semaphore_mem>>
        %dma_start3A = arith.constant 256 : i32
        %dma_start3A_36 = arith.constant 0 : i32
        %dma_start3A_37 = tpu.memref_slice %arg7[%dma_start3A, %dma_start3A_36] : memref<512x8xf32, #tpu.memory_space<vmem>> -> memref<128x8xf32, #tpu.memory_space<vmem>>
        %dma_start3A_38 = arith.constant 0 : i32
        %dma_start3A_39 = tpu.memref_slice %arg6[%run_scoped3A_33, %dma_start3A_38] : memref<4x128xi32, #tpu.memory_space<vmem>> -> memref<1x128xi32, #tpu.memory_space<vmem>>
        %dma_start3A_40 = tpu.memref_squeeze %dma_start3A_39 : memref<1x128xi32, #tpu.memory_space<vmem>> -> memref<128xi32, #tpu.memory_space<vmem>>
        %dma_start3A_41 = arith.constant 0 : i32
        %dma_start3A_42 = arith.constant 0 : i32
        %dma_start3A_43 = tpu.memref_slice %arg8[%dma_start3A_41, %dma_start3A_42] : memref<50016x8xf32, #tpu.memory_space<vmem_shared>> -> memref<50016x8xf32, #tpu.memory_space<vmem_shared>>
        tpu.enqueue_indirect_dma source(%dma_start3A_37 : memref<128x8xf32, #tpu.memory_space<vmem>>) target(%dma_start3A_43 : memref<50016x8xf32, #tpu.memory_space<vmem_shared>>) offsets(%dma_start3A_40 : memref<128xi32, #tpu.memory_space<vmem>>) semaphore(%run_scoped3A_35 : memref<!tpu.dma_semaphore, #tpu.memory_space<semaphore_mem>>) {add = true}
        %dma_wait3A = arith.constant 256 : i32
        %dma_wait3A_44 = arith.constant 0 : i32
        %dma_wait3A_45 = tpu.memref_slice %arg7[%dma_wait3A, %dma_wait3A_44] : memref<512x8xf32, #tpu.memory_space<vmem>> -> memref<128x8xf32, #tpu.memory_space<vmem>>
        %dma_wait3A_46 = arith.constant 0 : i32
        %dma_wait3A_47 = tpu.memref_slice %arg6[%run_scoped3A_33, %dma_wait3A_46] : memref<4x128xi32, #tpu.memory_space<vmem>> -> memref<1x128xi32, #tpu.memory_space<vmem>>
        %dma_wait3A_48 = tpu.memref_squeeze %dma_wait3A_47 : memref<1x128xi32, #tpu.memory_space<vmem>> -> memref<128xi32, #tpu.memory_space<vmem>>
        %dma_wait3A_49 = arith.constant 0 : i32
        %dma_wait3A_50 = arith.constant 0 : i32
        %dma_wait3A_51 = tpu.memref_slice %arg8[%dma_wait3A_49, %dma_wait3A_50] : memref<50016x8xf32, #tpu.memory_space<vmem_shared>> -> memref<50016x8xf32, #tpu.memory_space<vmem_shared>>
        tpu.wait_indirect_dma semaphore(%run_scoped3A_35 : memref<!tpu.dma_semaphore, #tpu.memory_space<semaphore_mem>>) src(%dma_wait3A_45 : memref<128x8xf32, #tpu.memory_space<vmem>>) dst(%dma_wait3A_51 : memref<50016x8xf32, #tpu.memory_space<vmem_shared>>)
        tpu.yield
      }) : () -> ()
      %run_scoped3A_34 = arith.constant 3 : i32
      "tpu.region"() ({
        %run_scoped3A_35 = tpu.sem_alloc : memref<!tpu.dma_semaphore, #tpu.memory_space<semaphore_mem>>
        %dma_start3A = arith.constant 384 : i32
        %dma_start3A_36 = arith.constant 0 : i32
        %dma_start3A_37 = tpu.memref_slice %arg7[%dma_start3A, %dma_start3A_36] : memref<512x8xf32, #tpu.memory_space<vmem>> -> memref<128x8xf32, #tpu.memory_space<vmem>>
        %dma_start3A_38 = arith.constant 0 : i32
        %dma_start3A_39 = tpu.memref_slice %arg6[%run_scoped3A_34, %dma_start3A_38] : memref<4x128xi32, #tpu.memory_space<vmem>> -> memref<1x128xi32, #tpu.memory_space<vmem>>
        %dma_start3A_40 = tpu.memref_squeeze %dma_start3A_39 : memref<1x128xi32, #tpu.memory_space<vmem>> -> memref<128xi32, #tpu.memory_space<vmem>>
        %dma_start3A_41 = arith.constant 0 : i32
        %dma_start3A_42 = arith.constant 0 : i32
        %dma_start3A_43 = tpu.memref_slice %arg8[%dma_start3A_41, %dma_start3A_42] : memref<50016x8xf32, #tpu.memory_space<vmem_shared>> -> memref<50016x8xf32, #tpu.memory_space<vmem_shared>>
        tpu.enqueue_indirect_dma source(%dma_start3A_37 : memref<128x8xf32, #tpu.memory_space<vmem>>) target(%dma_start3A_43 : memref<50016x8xf32, #tpu.memory_space<vmem_shared>>) offsets(%dma_start3A_40 : memref<128xi32, #tpu.memory_space<vmem>>) semaphore(%run_scoped3A_35 : memref<!tpu.dma_semaphore, #tpu.memory_space<semaphore_mem>>) {add = true}
        %dma_wait3A = arith.constant 384 : i32
        %dma_wait3A_44 = arith.constant 0 : i32
        %dma_wait3A_45 = tpu.memref_slice %arg7[%dma_wait3A, %dma_wait3A_44] : memref<512x8xf32, #tpu.memory_space<vmem>> -> memref<128x8xf32, #tpu.memory_space<vmem>>
        %dma_wait3A_46 = arith.constant 0 : i32
        %dma_wait3A_47 = tpu.memref_slice %arg6[%run_scoped3A_34, %dma_wait3A_46] : memref<4x128xi32, #tpu.memory_space<vmem>> -> memref<1x128xi32, #tpu.memory_space<vmem>>
        %dma_wait3A_48 = tpu.memref_squeeze %dma_wait3A_47 : memref<1x128xi32, #tpu.memory_space<vmem>> -> memref<128xi32, #tpu.memory_space<vmem>>
        %dma_wait3A_49 = arith.constant 0 : i32
        %dma_wait3A_50 = arith.constant 0 : i32
        %dma_wait3A_51 = tpu.memref_slice %arg8[%dma_wait3A_49, %dma_wait3A_50] : memref<50016x8xf32, #tpu.memory_space<vmem_shared>> -> memref<50016x8xf32, #tpu.memory_space<vmem_shared>>
        tpu.wait_indirect_dma semaphore(%run_scoped3A_35 : memref<!tpu.dma_semaphore, #tpu.memory_space<semaphore_mem>>) src(%dma_wait3A_45 : memref<128x8xf32, #tpu.memory_space<vmem>>) dst(%dma_wait3A_51 : memref<50016x8xf32, #tpu.memory_space<vmem_shared>>)
        tpu.yield
      }) : () -> ()
    }
    %scan3A_7 = arith.constant 49 : i32
    %barrier3A_8 = arith.constant 0 : index
    tpu.barrier barrier_id(%barrier3A_8)
    %eq3A_9 = arith.constant 0 : i32
    %eq3A_10 = arith.cmpi eq, %arg1, %eq3A_9 : i32
    %convert_element_type3A_11 = arith.extui %eq3A_10 : i1 to i32
    %cond3A_12 = arith.constant 0 : i32
    %cond3A_13 = arith.cmpi ne, %convert_element_type3A_11, %cond3A_12 : i32
    scf.if %cond3A_13 {
      "tpu.region"() ({
        %run_scoped3A = tpu.sem_alloc : memref<!tpu.dma_semaphore, #tpu.memory_space<semaphore_mem>>
        %dma_start3A = arith.constant 0 : i32
        %dma_start3A_14 = arith.constant 0 : i32
        %dma_start3A_15 = tpu.memref_slice %arg5[%arg0, %dma_start3A, %dma_start3A_14] : memref<2x50016x8xf32, #tpu.memory_space<hbm>> -> memref<1x50016x8xf32, #tpu.memory_space<hbm>>
        %dma_start3A_16 = tpu.memref_squeeze %dma_start3A_15 : memref<1x50016x8xf32, #tpu.memory_space<hbm>> -> memref<50016x8xf32, #tpu.memory_space<hbm>>
        tpu.enqueue_dma source(%arg8 : memref<50016x8xf32, #tpu.memory_space<vmem_shared>>) target(%dma_start3A_16 : memref<50016x8xf32, #tpu.memory_space<hbm>>) target_semaphore(%run_scoped3A : memref<!tpu.dma_semaphore, #tpu.memory_space<semaphore_mem>>)
        %dma_wait3A = arith.constant 0 : i32
        %dma_wait3A_17 = arith.constant 0 : i32
        %dma_wait3A_18 = tpu.memref_slice %arg5[%arg0, %dma_wait3A, %dma_wait3A_17] : memref<2x50016x8xf32, #tpu.memory_space<hbm>> -> memref<1x50016x8xf32, #tpu.memory_space<hbm>>
        %dma_wait3A_19 = tpu.memref_squeeze %dma_wait3A_18 : memref<1x50016x8xf32, #tpu.memory_space<hbm>> -> memref<50016x8xf32, #tpu.memory_space<hbm>>
        tpu.wait_dma2 semaphore(%run_scoped3A : memref<!tpu.dma_semaphore, #tpu.memory_space<semaphore_mem>>) src(%arg8 : memref<50016x8xf32, #tpu.memory_space<vmem_shared>>) dst(%dma_wait3A_19 : memref<50016x8xf32, #tpu.memory_space<hbm>>)
        tpu.yield
      }) : () -> ()
    } else {
    }
    return
  }
}

#map = affine_map<(d0, d1) -> (0)>
#map1 = affine_map<(d0, d1) -> (0, 0)>
module attributes {stable_mosaic.version = 14 : i64} {
  func.func @_sc_l1_gather_body(%arg0: i32, %arg1: i32, %arg2: memref<802816xi32, #tpu.memory_space<hbm>>, %arg3: memref<802816xi32, #tpu.memory_space<hbm>>, %arg4: memref<50000x80xf32, #tpu.memory_space<hbm>>, %arg5: memref<50000x80xf32, #tpu.memory_space<hbm>>, %arg6: memref<802816x80xf32, #tpu.memory_space<hbm>>, %arg7: memref<802816x80xf32, #tpu.memory_space<hbm>>, %arg8: memref<512xi32, #tpu.memory_space<vmem>>, %arg9: memref<512xi32, #tpu.memory_space<vmem>>, %arg10: memref<512x80xf32, #tpu.memory_space<vmem>>, %arg11: memref<512x80xf32, #tpu.memory_space<vmem>>, %arg12: memref<!tpu.dma_semaphore, #tpu.memory_space<semaphore_mem>>) attributes {dimension_semantics = [#tpu.dimension_semantics<core_parallel>, #tpu.dimension_semantics<subcore_parallel>], iteration_bounds = array<i64: 2, 16>, scalar_prefetch = 0 : i64, scratch_operands = 5 : i64, tpu.core_type = #tpu.core_type<sc_vector_subcore>, window_params = [{transform_indices = #map}, {transform_indices = #map}, {transform_indices = #map1}, {transform_indices = #map1}, {transform_indices = #map1}, {transform_indices = #map1}]} {
    %mul3A = arith.constant 2 : i32
    %mul3A_0 = arith.muli %arg1, %mul3A : i32
    %add3A = arith.addi %mul3A_0, %arg0 : i32
    %scan3A = arith.constant 0 : i32
    %scan3A_1 = arith.constant 0 : i32
    %scan3A_2 = arith.constant 49 : i32
    %scan3A_3 = arith.addi %scan3A_1, %scan3A_2 : i32
    %scan3A_4 = arith.constant 1 : i32
    scf.for %scan3A_6 = %scan3A_1 to %scan3A_3 step %scan3A_4  : i32 {
      %mul3A_7 = arith.constant 49 : i32
      %mul3A_8 = arith.muli %add3A, %mul3A_7 : i32
      %add3A_9 = arith.addi %mul3A_8, %scan3A_6 : i32
      %mul3A_10 = arith.constant 512 : i32
      %mul3A_11 = arith.muli %add3A_9, %mul3A_10 : i32
      "tpu.region"() ({
        %run_scoped3A = tpu.sem_alloc : memref<!tpu.dma_semaphore, #tpu.memory_space<semaphore_mem>>
        %dma_start3A_138 = tpu.memref_slice %arg2[%mul3A_11] : memref<802816xi32, #tpu.memory_space<hbm>> -> memref<512xi32, #tpu.memory_space<hbm>>
        %dma_start3A_139 = tpu.memref_slice %arg2[%mul3A_11] : memref<802816xi32, #tpu.memory_space<hbm>> -> memref<512xi32, #tpu.memory_space<hbm>>
        tpu.enqueue_dma source(%dma_start3A_139 : memref<512xi32, #tpu.memory_space<hbm>>) target(%arg8 : memref<512xi32, #tpu.memory_space<vmem>>) target_semaphore(%run_scoped3A : memref<!tpu.dma_semaphore, #tpu.memory_space<semaphore_mem>>)
        %dma_wait3A_140 = tpu.memref_slice %arg2[%mul3A_11] : memref<802816xi32, #tpu.memory_space<hbm>> -> memref<512xi32, #tpu.memory_space<hbm>>
        %dma_wait3A_141 = tpu.memref_slice %arg2[%mul3A_11] : memref<802816xi32, #tpu.memory_space<hbm>> -> memref<512xi32, #tpu.memory_space<hbm>>
        tpu.wait_dma2 semaphore(%run_scoped3A : memref<!tpu.dma_semaphore, #tpu.memory_space<semaphore_mem>>) src(%dma_wait3A_141 : memref<512xi32, #tpu.memory_space<hbm>>) dst(%arg8 : memref<512xi32, #tpu.memory_space<vmem>>)
        tpu.yield
      }) : () -> ()
      "tpu.region"() ({
        %run_scoped3A = tpu.sem_alloc : memref<!tpu.dma_semaphore, #tpu.memory_space<semaphore_mem>>
        %dma_start3A_138 = tpu.memref_slice %arg3[%mul3A_11] : memref<802816xi32, #tpu.memory_space<hbm>> -> memref<512xi32, #tpu.memory_space<hbm>>
        %dma_start3A_139 = tpu.memref_slice %arg3[%mul3A_11] : memref<802816xi32, #tpu.memory_space<hbm>> -> memref<512xi32, #tpu.memory_space<hbm>>
        tpu.enqueue_dma source(%dma_start3A_139 : memref<512xi32, #tpu.memory_space<hbm>>) target(%arg9 : memref<512xi32, #tpu.memory_space<vmem>>) target_semaphore(%run_scoped3A : memref<!tpu.dma_semaphore, #tpu.memory_space<semaphore_mem>>)
        %dma_wait3A_140 = tpu.memref_slice %arg3[%mul3A_11] : memref<802816xi32, #tpu.memory_space<hbm>> -> memref<512xi32, #tpu.memory_space<hbm>>
        %dma_wait3A_141 = tpu.memref_slice %arg3[%mul3A_11] : memref<802816xi32, #tpu.memory_space<hbm>> -> memref<512xi32, #tpu.memory_space<hbm>>
        tpu.wait_dma2 semaphore(%run_scoped3A : memref<!tpu.dma_semaphore, #tpu.memory_space<semaphore_mem>>) src(%dma_wait3A_141 : memref<512xi32, #tpu.memory_space<hbm>>) dst(%arg9 : memref<512xi32, #tpu.memory_space<vmem>>)
        tpu.yield
      }) : () -> ()
      %dma_start3A = arith.constant 0 : i32
      %dma_start3A_12 = arith.constant 0 : i32
      %dma_start3A_13 = tpu.memref_slice %arg10[%dma_start3A, %dma_start3A_12] : memref<512x80xf32, #tpu.memory_space<vmem>> -> memref<128x80xf32, #tpu.memory_space<vmem>>
      %dma_start3A_14 = arith.constant 0 : i32
      %dma_start3A_15 = tpu.memref_slice %arg8[%dma_start3A_14] : memref<512xi32, #tpu.memory_space<vmem>> -> memref<128xi32, #tpu.memory_space<vmem>>
      %dma_start3A_16 = arith.constant 0 : i32
      %dma_start3A_17 = arith.constant 0 : i32
      %dma_start3A_18 = tpu.memref_slice %arg4[%dma_start3A_16, %dma_start3A_17] : memref<50000x80xf32, #tpu.memory_space<hbm>> -> memref<50000x80xf32, #tpu.memory_space<hbm>>
      tpu.enqueue_indirect_dma source(%dma_start3A_18 : memref<50000x80xf32, #tpu.memory_space<hbm>>) target(%dma_start3A_13 : memref<128x80xf32, #tpu.memory_space<vmem>>) offsets(%dma_start3A_15 : memref<128xi32, #tpu.memory_space<vmem>>) semaphore(%arg12 : memref<!tpu.dma_semaphore, #tpu.memory_space<semaphore_mem>>)
      %dma_start3A_19 = arith.constant 0 : i32
      %dma_start3A_20 = arith.constant 0 : i32
      %dma_start3A_21 = tpu.memref_slice %arg11[%dma_start3A_19, %dma_start3A_20] : memref<512x80xf32, #tpu.memory_space<vmem>> -> memref<128x80xf32, #tpu.memory_space<vmem>>
      %dma_start3A_22 = arith.constant 0 : i32
      %dma_start3A_23 = tpu.memref_slice %arg9[%dma_start3A_22] : memref<512xi32, #tpu.memory_space<vmem>> -> memref<128xi32, #tpu.memory_space<vmem>>
      %dma_start3A_24 = arith.constant 0 : i32
      %dma_start3A_25 = arith.constant 0 : i32
      %dma_start3A_26 = tpu.memref_slice %arg5[%dma_start3A_24, %dma_start3A_25] : memref<50000x80xf32, #tpu.memory_space<hbm>> -> memref<50000x80xf32, #tpu.memory_space<hbm>>
      tpu.enqueue_indirect_dma source(%dma_start3A_26 : memref<50000x80xf32, #tpu.memory_space<hbm>>) target(%dma_start3A_21 : memref<128x80xf32, #tpu.memory_space<vmem>>) offsets(%dma_start3A_23 : memref<128xi32, #tpu.memory_space<vmem>>) semaphore(%arg12 : memref<!tpu.dma_semaphore, #tpu.memory_space<semaphore_mem>>)
      %dma_start3A_27 = arith.constant 128 : i32
      %dma_start3A_28 = arith.constant 0 : i32
      %dma_start3A_29 = tpu.memref_slice %arg10[%dma_start3A_27, %dma_start3A_28] : memref<512x80xf32, #tpu.memory_space<vmem>> -> memref<128x80xf32, #tpu.memory_space<vmem>>
      %dma_start3A_30 = arith.constant 128 : i32
      %dma_start3A_31 = tpu.memref_slice %arg8[%dma_start3A_30] : memref<512xi32, #tpu.memory_space<vmem>> -> memref<128xi32, #tpu.memory_space<vmem>>
      %dma_start3A_32 = arith.constant 0 : i32
      %dma_start3A_33 = arith.constant 0 : i32
      %dma_start3A_34 = tpu.memref_slice %arg4[%dma_start3A_32, %dma_start3A_33] : memref<50000x80xf32, #tpu.memory_space<hbm>> -> memref<50000x80xf32, #tpu.memory_space<hbm>>
      tpu.enqueue_indirect_dma source(%dma_start3A_34 : memref<50000x80xf32, #tpu.memory_space<hbm>>) target(%dma_start3A_29 : memref<128x80xf32, #tpu.memory_space<vmem>>) offsets(%dma_start3A_31 : memref<128xi32, #tpu.memory_space<vmem>>) semaphore(%arg12 : memref<!tpu.dma_semaphore, #tpu.memory_space<semaphore_mem>>)
      %dma_start3A_35 = arith.constant 128 : i32
      %dma_start3A_36 = arith.constant 0 : i32
      %dma_start3A_37 = tpu.memref_slice %arg11[%dma_start3A_35, %dma_start3A_36] : memref<512x80xf32, #tpu.memory_space<vmem>> -> memref<128x80xf32, #tpu.memory_space<vmem>>
      %dma_start3A_38 = arith.constant 128 : i32
      %dma_start3A_39 = tpu.memref_slice %arg9[%dma_start3A_38] : memref<512xi32, #tpu.memory_space<vmem>> -> memref<128xi32, #tpu.memory_space<vmem>>
      %dma_start3A_40 = arith.constant 0 : i32
      %dma_start3A_41 = arith.constant 0 : i32
      %dma_start3A_42 = tpu.memref_slice %arg5[%dma_start3A_40, %dma_start3A_41] : memref<50000x80xf32, #tpu.memory_space<hbm>> -> memref<50000x80xf32, #tpu.memory_space<hbm>>
      tpu.enqueue_indirect_dma source(%dma_start3A_42 : memref<50000x80xf32, #tpu.memory_space<hbm>>) target(%dma_start3A_37 : memref<128x80xf32, #tpu.memory_space<vmem>>) offsets(%dma_start3A_39 : memref<128xi32, #tpu.memory_space<vmem>>) semaphore(%arg12 : memref<!tpu.dma_semaphore, #tpu.memory_space<semaphore_mem>>)
      %dma_start3A_43 = arith.constant 256 : i32
      %dma_start3A_44 = arith.constant 0 : i32
      %dma_start3A_45 = tpu.memref_slice %arg10[%dma_start3A_43, %dma_start3A_44] : memref<512x80xf32, #tpu.memory_space<vmem>> -> memref<128x80xf32, #tpu.memory_space<vmem>>
      %dma_start3A_46 = arith.constant 256 : i32
      %dma_start3A_47 = tpu.memref_slice %arg8[%dma_start3A_46] : memref<512xi32, #tpu.memory_space<vmem>> -> memref<128xi32, #tpu.memory_space<vmem>>
      %dma_start3A_48 = arith.constant 0 : i32
      %dma_start3A_49 = arith.constant 0 : i32
      %dma_start3A_50 = tpu.memref_slice %arg4[%dma_start3A_48, %dma_start3A_49] : memref<50000x80xf32, #tpu.memory_space<hbm>> -> memref<50000x80xf32, #tpu.memory_space<hbm>>
      tpu.enqueue_indirect_dma source(%dma_start3A_50 : memref<50000x80xf32, #tpu.memory_space<hbm>>) target(%dma_start3A_45 : memref<128x80xf32, #tpu.memory_space<vmem>>) offsets(%dma_start3A_47 : memref<128xi32, #tpu.memory_space<vmem>>) semaphore(%arg12 : memref<!tpu.dma_semaphore, #tpu.memory_space<semaphore_mem>>)
      %dma_start3A_51 = arith.constant 256 : i32
      %dma_start3A_52 = arith.constant 0 : i32
      %dma_start3A_53 = tpu.memref_slice %arg11[%dma_start3A_51, %dma_start3A_52] : memref<512x80xf32, #tpu.memory_space<vmem>> -> memref<128x80xf32, #tpu.memory_space<vmem>>
      %dma_start3A_54 = arith.constant 256 : i32
      %dma_start3A_55 = tpu.memref_slice %arg9[%dma_start3A_54] : memref<512xi32, #tpu.memory_space<vmem>> -> memref<128xi32, #tpu.memory_space<vmem>>
      %dma_start3A_56 = arith.constant 0 : i32
      %dma_start3A_57 = arith.constant 0 : i32
      %dma_start3A_58 = tpu.memref_slice %arg5[%dma_start3A_56, %dma_start3A_57] : memref<50000x80xf32, #tpu.memory_space<hbm>> -> memref<50000x80xf32, #tpu.memory_space<hbm>>
      tpu.enqueue_indirect_dma source(%dma_start3A_58 : memref<50000x80xf32, #tpu.memory_space<hbm>>) target(%dma_start3A_53 : memref<128x80xf32, #tpu.memory_space<vmem>>) offsets(%dma_start3A_55 : memref<128xi32, #tpu.memory_space<vmem>>) semaphore(%arg12 : memref<!tpu.dma_semaphore, #tpu.memory_space<semaphore_mem>>)
      %dma_start3A_59 = arith.constant 384 : i32
      %dma_start3A_60 = arith.constant 0 : i32
      %dma_start3A_61 = tpu.memref_slice %arg10[%dma_start3A_59, %dma_start3A_60] : memref<512x80xf32, #tpu.memory_space<vmem>> -> memref<128x80xf32, #tpu.memory_space<vmem>>
      %dma_start3A_62 = arith.constant 384 : i32
      %dma_start3A_63 = tpu.memref_slice %arg8[%dma_start3A_62] : memref<512xi32, #tpu.memory_space<vmem>> -> memref<128xi32, #tpu.memory_space<vmem>>
      %dma_start3A_64 = arith.constant 0 : i32
      %dma_start3A_65 = arith.constant 0 : i32
      %dma_start3A_66 = tpu.memref_slice %arg4[%dma_start3A_64, %dma_start3A_65] : memref<50000x80xf32, #tpu.memory_space<hbm>> -> memref<50000x80xf32, #tpu.memory_space<hbm>>
      tpu.enqueue_indirect_dma source(%dma_start3A_66 : memref<50000x80xf32, #tpu.memory_space<hbm>>) target(%dma_start3A_61 : memref<128x80xf32, #tpu.memory_space<vmem>>) offsets(%dma_start3A_63 : memref<128xi32, #tpu.memory_space<vmem>>) semaphore(%arg12 : memref<!tpu.dma_semaphore, #tpu.memory_space<semaphore_mem>>)
      %dma_start3A_67 = arith.constant 384 : i32
      %dma_start3A_68 = arith.constant 0 : i32
      %dma_start3A_69 = tpu.memref_slice %arg11[%dma_start3A_67, %dma_start3A_68] : memref<512x80xf32, #tpu.memory_space<vmem>> -> memref<128x80xf32, #tpu.memory_space<vmem>>
      %dma_start3A_70 = arith.constant 384 : i32
      %dma_start3A_71 = tpu.memref_slice %arg9[%dma_start3A_70] : memref<512xi32, #tpu.memory_space<vmem>> -> memref<128xi32, #tpu.memory_space<vmem>>
      %dma_start3A_72 = arith.constant 0 : i32
      %dma_start3A_73 = arith.constant 0 : i32
      %dma_start3A_74 = tpu.memref_slice %arg5[%dma_start3A_72, %dma_start3A_73] : memref<50000x80xf32, #tpu.memory_space<hbm>> -> memref<50000x80xf32, #tpu.memory_space<hbm>>
      tpu.enqueue_indirect_dma source(%dma_start3A_74 : memref<50000x80xf32, #tpu.memory_space<hbm>>) target(%dma_start3A_69 : memref<128x80xf32, #tpu.memory_space<vmem>>) offsets(%dma_start3A_71 : memref<128xi32, #tpu.memory_space<vmem>>) semaphore(%arg12 : memref<!tpu.dma_semaphore, #tpu.memory_space<semaphore_mem>>)
      %dma_wait3A = arith.constant 0 : i32
      %dma_wait3A_75 = arith.constant 0 : i32
      %dma_wait3A_76 = tpu.memref_slice %arg10[%dma_wait3A, %dma_wait3A_75] : memref<512x80xf32, #tpu.memory_space<vmem>> -> memref<128x80xf32, #tpu.memory_space<vmem>>
      %dma_wait3A_77 = arith.constant 0 : i32
      %dma_wait3A_78 = tpu.memref_slice %arg8[%dma_wait3A_77] : memref<512xi32, #tpu.memory_space<vmem>> -> memref<128xi32, #tpu.memory_space<vmem>>
      %dma_wait3A_79 = arith.constant 0 : i32
      %dma_wait3A_80 = arith.constant 0 : i32
      %dma_wait3A_81 = tpu.memref_slice %arg4[%dma_wait3A_79, %dma_wait3A_80] : memref<50000x80xf32, #tpu.memory_space<hbm>> -> memref<50000x80xf32, #tpu.memory_space<hbm>>
      tpu.wait_indirect_dma semaphore(%arg12 : memref<!tpu.dma_semaphore, #tpu.memory_space<semaphore_mem>>) src(%dma_wait3A_81 : memref<50000x80xf32, #tpu.memory_space<hbm>>) dst(%dma_wait3A_76 : memref<128x80xf32, #tpu.memory_space<vmem>>)
      %dma_wait3A_82 = arith.constant 0 : i32
      %dma_wait3A_83 = arith.constant 0 : i32
      %dma_wait3A_84 = tpu.memref_slice %arg11[%dma_wait3A_82, %dma_wait3A_83] : memref<512x80xf32, #tpu.memory_space<vmem>> -> memref<128x80xf32, #tpu.memory_space<vmem>>
      %dma_wait3A_85 = arith.constant 0 : i32
      %dma_wait3A_86 = tpu.memref_slice %arg9[%dma_wait3A_85] : memref<512xi32, #tpu.memory_space<vmem>> -> memref<128xi32, #tpu.memory_space<vmem>>
      %dma_wait3A_87 = arith.constant 0 : i32
      %dma_wait3A_88 = arith.constant 0 : i32
      %dma_wait3A_89 = tpu.memref_slice %arg5[%dma_wait3A_87, %dma_wait3A_88] : memref<50000x80xf32, #tpu.memory_space<hbm>> -> memref<50000x80xf32, #tpu.memory_space<hbm>>
      tpu.wait_indirect_dma semaphore(%arg12 : memref<!tpu.dma_semaphore, #tpu.memory_space<semaphore_mem>>) src(%dma_wait3A_89 : memref<50000x80xf32, #tpu.memory_space<hbm>>) dst(%dma_wait3A_84 : memref<128x80xf32, #tpu.memory_space<vmem>>)
      %dma_wait3A_90 = arith.constant 128 : i32
      %dma_wait3A_91 = arith.constant 0 : i32
      %dma_wait3A_92 = tpu.memref_slice %arg10[%dma_wait3A_90, %dma_wait3A_91] : memref<512x80xf32, #tpu.memory_space<vmem>> -> memref<128x80xf32, #tpu.memory_space<vmem>>
      %dma_wait3A_93 = arith.constant 128 : i32
      %dma_wait3A_94 = tpu.memref_slice %arg8[%dma_wait3A_93] : memref<512xi32, #tpu.memory_space<vmem>> -> memref<128xi32, #tpu.memory_space<vmem>>
      %dma_wait3A_95 = arith.constant 0 : i32
      %dma_wait3A_96 = arith.constant 0 : i32
      %dma_wait3A_97 = tpu.memref_slice %arg4[%dma_wait3A_95, %dma_wait3A_96] : memref<50000x80xf32, #tpu.memory_space<hbm>> -> memref<50000x80xf32, #tpu.memory_space<hbm>>
      tpu.wait_indirect_dma semaphore(%arg12 : memref<!tpu.dma_semaphore, #tpu.memory_space<semaphore_mem>>) src(%dma_wait3A_97 : memref<50000x80xf32, #tpu.memory_space<hbm>>) dst(%dma_wait3A_92 : memref<128x80xf32, #tpu.memory_space<vmem>>)
      %dma_wait3A_98 = arith.constant 128 : i32
      %dma_wait3A_99 = arith.constant 0 : i32
      %dma_wait3A_100 = tpu.memref_slice %arg11[%dma_wait3A_98, %dma_wait3A_99] : memref<512x80xf32, #tpu.memory_space<vmem>> -> memref<128x80xf32, #tpu.memory_space<vmem>>
      %dma_wait3A_101 = arith.constant 128 : i32
      %dma_wait3A_102 = tpu.memref_slice %arg9[%dma_wait3A_101] : memref<512xi32, #tpu.memory_space<vmem>> -> memref<128xi32, #tpu.memory_space<vmem>>
      %dma_wait3A_103 = arith.constant 0 : i32
      %dma_wait3A_104 = arith.constant 0 : i32
      %dma_wait3A_105 = tpu.memref_slice %arg5[%dma_wait3A_103, %dma_wait3A_104] : memref<50000x80xf32, #tpu.memory_space<hbm>> -> memref<50000x80xf32, #tpu.memory_space<hbm>>
      tpu.wait_indirect_dma semaphore(%arg12 : memref<!tpu.dma_semaphore, #tpu.memory_space<semaphore_mem>>) src(%dma_wait3A_105 : memref<50000x80xf32, #tpu.memory_space<hbm>>) dst(%dma_wait3A_100 : memref<128x80xf32, #tpu.memory_space<vmem>>)
      %dma_wait3A_106 = arith.constant 256 : i32
      %dma_wait3A_107 = arith.constant 0 : i32
      %dma_wait3A_108 = tpu.memref_slice %arg10[%dma_wait3A_106, %dma_wait3A_107] : memref<512x80xf32, #tpu.memory_space<vmem>> -> memref<128x80xf32, #tpu.memory_space<vmem>>
      %dma_wait3A_109 = arith.constant 256 : i32
      %dma_wait3A_110 = tpu.memref_slice %arg8[%dma_wait3A_109] : memref<512xi32, #tpu.memory_space<vmem>> -> memref<128xi32, #tpu.memory_space<vmem>>
      %dma_wait3A_111 = arith.constant 0 : i32
      %dma_wait3A_112 = arith.constant 0 : i32
      %dma_wait3A_113 = tpu.memref_slice %arg4[%dma_wait3A_111, %dma_wait3A_112] : memref<50000x80xf32, #tpu.memory_space<hbm>> -> memref<50000x80xf32, #tpu.memory_space<hbm>>
      tpu.wait_indirect_dma semaphore(%arg12 : memref<!tpu.dma_semaphore, #tpu.memory_space<semaphore_mem>>) src(%dma_wait3A_113 : memref<50000x80xf32, #tpu.memory_space<hbm>>) dst(%dma_wait3A_108 : memref<128x80xf32, #tpu.memory_space<vmem>>)
      %dma_wait3A_114 = arith.constant 256 : i32
      %dma_wait3A_115 = arith.constant 0 : i32
      %dma_wait3A_116 = tpu.memref_slice %arg11[%dma_wait3A_114, %dma_wait3A_115] : memref<512x80xf32, #tpu.memory_space<vmem>> -> memref<128x80xf32, #tpu.memory_space<vmem>>
      %dma_wait3A_117 = arith.constant 256 : i32
      %dma_wait3A_118 = tpu.memref_slice %arg9[%dma_wait3A_117] : memref<512xi32, #tpu.memory_space<vmem>> -> memref<128xi32, #tpu.memory_space<vmem>>
      %dma_wait3A_119 = arith.constant 0 : i32
      %dma_wait3A_120 = arith.constant 0 : i32
      %dma_wait3A_121 = tpu.memref_slice %arg5[%dma_wait3A_119, %dma_wait3A_120] : memref<50000x80xf32, #tpu.memory_space<hbm>> -> memref<50000x80xf32, #tpu.memory_space<hbm>>
      tpu.wait_indirect_dma semaphore(%arg12 : memref<!tpu.dma_semaphore, #tpu.memory_space<semaphore_mem>>) src(%dma_wait3A_121 : memref<50000x80xf32, #tpu.memory_space<hbm>>) dst(%dma_wait3A_116 : memref<128x80xf32, #tpu.memory_space<vmem>>)
      %dma_wait3A_122 = arith.constant 384 : i32
      %dma_wait3A_123 = arith.constant 0 : i32
      %dma_wait3A_124 = tpu.memref_slice %arg10[%dma_wait3A_122, %dma_wait3A_123] : memref<512x80xf32, #tpu.memory_space<vmem>> -> memref<128x80xf32, #tpu.memory_space<vmem>>
      %dma_wait3A_125 = arith.constant 384 : i32
      %dma_wait3A_126 = tpu.memref_slice %arg8[%dma_wait3A_125] : memref<512xi32, #tpu.memory_space<vmem>> -> memref<128xi32, #tpu.memory_space<vmem>>
      %dma_wait3A_127 = arith.constant 0 : i32
      %dma_wait3A_128 = arith.constant 0 : i32
      %dma_wait3A_129 = tpu.memref_slice %arg4[%dma_wait3A_127, %dma_wait3A_128] : memref<50000x80xf32, #tpu.memory_space<hbm>> -> memref<50000x80xf32, #tpu.memory_space<hbm>>
      tpu.wait_indirect_dma semaphore(%arg12 : memref<!tpu.dma_semaphore, #tpu.memory_space<semaphore_mem>>) src(%dma_wait3A_129 : memref<50000x80xf32, #tpu.memory_space<hbm>>) dst(%dma_wait3A_124 : memref<128x80xf32, #tpu.memory_space<vmem>>)
      %dma_wait3A_130 = arith.constant 384 : i32
      %dma_wait3A_131 = arith.constant 0 : i32
      %dma_wait3A_132 = tpu.memref_slice %arg11[%dma_wait3A_130, %dma_wait3A_131] : memref<512x80xf32, #tpu.memory_space<vmem>> -> memref<128x80xf32, #tpu.memory_space<vmem>>
      %dma_wait3A_133 = arith.constant 384 : i32
      %dma_wait3A_134 = tpu.memref_slice %arg9[%dma_wait3A_133] : memref<512xi32, #tpu.memory_space<vmem>> -> memref<128xi32, #tpu.memory_space<vmem>>
      %dma_wait3A_135 = arith.constant 0 : i32
      %dma_wait3A_136 = arith.constant 0 : i32
      %dma_wait3A_137 = tpu.memref_slice %arg5[%dma_wait3A_135, %dma_wait3A_136] : memref<50000x80xf32, #tpu.memory_space<hbm>> -> memref<50000x80xf32, #tpu.memory_space<hbm>>
      tpu.wait_indirect_dma semaphore(%arg12 : memref<!tpu.dma_semaphore, #tpu.memory_space<semaphore_mem>>) src(%dma_wait3A_137 : memref<50000x80xf32, #tpu.memory_space<hbm>>) dst(%dma_wait3A_132 : memref<128x80xf32, #tpu.memory_space<vmem>>)
      "tpu.region"() ({
        %run_scoped3A = tpu.sem_alloc : memref<!tpu.dma_semaphore, #tpu.memory_space<semaphore_mem>>
        %dma_start3A_138 = arith.constant 0 : i32
        %dma_start3A_139 = tpu.memref_slice %arg6[%mul3A_11, %dma_start3A_138] : memref<802816x80xf32, #tpu.memory_space<hbm>> -> memref<512x80xf32, #tpu.memory_space<hbm>>
        %dma_start3A_140 = arith.constant 0 : i32
        %dma_start3A_141 = tpu.memref_slice %arg6[%mul3A_11, %dma_start3A_140] : memref<802816x80xf32, #tpu.memory_space<hbm>> -> memref<512x80xf32, #tpu.memory_space<hbm>>
        tpu.enqueue_dma source(%arg10 : memref<512x80xf32, #tpu.memory_space<vmem>>) target(%dma_start3A_141 : memref<512x80xf32, #tpu.memory_space<hbm>>) target_semaphore(%run_scoped3A : memref<!tpu.dma_semaphore, #tpu.memory_space<semaphore_mem>>)
        %dma_wait3A_142 = arith.constant 0 : i32
        %dma_wait3A_143 = tpu.memref_slice %arg6[%mul3A_11, %dma_wait3A_142] : memref<802816x80xf32, #tpu.memory_space<hbm>> -> memref<512x80xf32, #tpu.memory_space<hbm>>
        %dma_wait3A_144 = arith.constant 0 : i32
        %dma_wait3A_145 = tpu.memref_slice %arg6[%mul3A_11, %dma_wait3A_144] : memref<802816x80xf32, #tpu.memory_space<hbm>> -> memref<512x80xf32, #tpu.memory_space<hbm>>
        tpu.wait_dma2 semaphore(%run_scoped3A : memref<!tpu.dma_semaphore, #tpu.memory_space<semaphore_mem>>) src(%arg10 : memref<512x80xf32, #tpu.memory_space<vmem>>) dst(%dma_wait3A_145 : memref<512x80xf32, #tpu.memory_space<hbm>>)
        tpu.yield
      }) : () -> ()
      "tpu.region"() ({
        %run_scoped3A = tpu.sem_alloc : memref<!tpu.dma_semaphore, #tpu.memory_space<semaphore_mem>>
        %dma_start3A_138 = arith.constant 0 : i32
        %dma_start3A_139 = tpu.memref_slice %arg7[%mul3A_11, %dma_start3A_138] : memref<802816x80xf32, #tpu.memory_space<hbm>> -> memref<512x80xf32, #tpu.memory_space<hbm>>
        %dma_start3A_140 = arith.constant 0 : i32
        %dma_start3A_141 = tpu.memref_slice %arg7[%mul3A_11, %dma_start3A_140] : memref<802816x80xf32, #tpu.memory_space<hbm>> -> memref<512x80xf32, #tpu.memory_space<hbm>>
        tpu.enqueue_dma source(%arg11 : memref<512x80xf32, #tpu.memory_space<vmem>>) target(%dma_start3A_141 : memref<512x80xf32, #tpu.memory_space<hbm>>) target_semaphore(%run_scoped3A : memref<!tpu.dma_semaphore, #tpu.memory_space<semaphore_mem>>)
        %dma_wait3A_142 = arith.constant 0 : i32
        %dma_wait3A_143 = tpu.memref_slice %arg7[%mul3A_11, %dma_wait3A_142] : memref<802816x80xf32, #tpu.memory_space<hbm>> -> memref<512x80xf32, #tpu.memory_space<hbm>>
        %dma_wait3A_144 = arith.constant 0 : i32
        %dma_wait3A_145 = tpu.memref_slice %arg7[%mul3A_11, %dma_wait3A_144] : memref<802816x80xf32, #tpu.memory_space<hbm>> -> memref<512x80xf32, #tpu.memory_space<hbm>>
        tpu.wait_dma2 semaphore(%run_scoped3A : memref<!tpu.dma_semaphore, #tpu.memory_space<semaphore_mem>>) src(%arg11 : memref<512x80xf32, #tpu.memory_space<vmem>>) dst(%dma_wait3A_145 : memref<512x80xf32, #tpu.memory_space<hbm>>)
        tpu.yield
      }) : () -> ()
    }
    %scan3A_5 = arith.constant 49 : i32
    return
  }
}

#map = affine_map<(d0, d1) -> (0)>
#map1 = affine_map<(d0, d1) -> (0, 0)>
#map2 = affine_map<(d0, d1) -> (0, 0, 0)>
module attributes {stable_mosaic.version = 14 : i64} {
  func.func @_sc_l2_body(%arg0: i32, %arg1: i32, %arg2: memref<802816xi32, #tpu.memory_space<hbm>>, %arg3: memref<802816xi32, #tpu.memory_space<hbm>>, %arg4: memref<50000x32xf32, #tpu.memory_space<hbm>>, %arg5: memref<50000x32xf32, #tpu.memory_space<hbm>>, %arg6: memref<32xf32, #tpu.memory_space<hbm>>, %arg7: memref<50016x8xf32, #tpu.memory_space<hbm>>, %arg8: memref<2x50016x8xf32, #tpu.memory_space<hbm>>, %arg9: memref<128xi32, #tpu.memory_space<vmem>>, %arg10: memref<128xi32, #tpu.memory_space<vmem>>, %arg11: memref<128x32xf32, #tpu.memory_space<vmem>>, %arg12: memref<128x32xf32, #tpu.memory_space<vmem>>, %arg13: memref<128x8xf32, #tpu.memory_space<vmem>>, %arg14: memref<32xf32, #tpu.memory_space<vmem>>, %arg15: memref<50016x8xf32, #tpu.memory_space<vmem_shared>>, %arg16: memref<!tpu.dma_semaphore, #tpu.memory_space<semaphore_mem>>, %arg17: memref<!tpu.dma_semaphore, #tpu.memory_space<semaphore_mem>>) attributes {dimension_semantics = [#tpu.dimension_semantics<core_parallel>, #tpu.dimension_semantics<subcore_parallel>], iteration_bounds = array<i64: 2, 16>, scalar_prefetch = 0 : i64, scratch_operands = 9 : i64, tpu.core_type = #tpu.core_type<sc_vector_subcore>, window_params = [{transform_indices = #map}, {transform_indices = #map}, {transform_indices = #map1}, {transform_indices = #map1}, {transform_indices = #map}, {transform_indices = #map1}, {transform_indices = #map2}]} {
    %mul3A = arith.constant 2 : i32
    %mul3A_0 = arith.muli %arg1, %mul3A : i32
    %add3A = arith.addi %mul3A_0, %arg0 : i32
    %iota3A = tpu.iota {dimensions = array<i32: 0>} : vector<16xi32>
    %eq3A = arith.constant 0 : i32
    %eq3A_1 = arith.cmpi eq, %arg1, %eq3A : i32
    %convert_element_type3A = arith.extui %eq3A_1 : i1 to i32
    %cond3A = arith.constant 0 : i32
    %cond3A_2 = arith.cmpi ne, %convert_element_type3A, %cond3A : i32
    scf.if %cond3A_2 {
      "tpu.region"() ({
        %run_scoped3A = tpu.sem_alloc : memref<!tpu.dma_semaphore, #tpu.memory_space<semaphore_mem>>
        tpu.enqueue_dma source(%arg7 : memref<50016x8xf32, #tpu.memory_space<hbm>>) target(%arg15 : memref<50016x8xf32, #tpu.memory_space<vmem_shared>>) target_semaphore(%run_scoped3A : memref<!tpu.dma_semaphore, #tpu.memory_space<semaphore_mem>>)
        tpu.wait_dma2 semaphore(%run_scoped3A : memref<!tpu.dma_semaphore, #tpu.memory_space<semaphore_mem>>) src(%arg7 : memref<50016x8xf32, #tpu.memory_space<hbm>>) dst(%arg15 : memref<50016x8xf32, #tpu.memory_space<vmem_shared>>)
        tpu.yield
      }) : () -> ()
    } else {
    }
    "tpu.region"() ({
      %run_scoped3A = tpu.sem_alloc : memref<!tpu.dma_semaphore, #tpu.memory_space<semaphore_mem>>
      tpu.enqueue_dma source(%arg6 : memref<32xf32, #tpu.memory_space<hbm>>) target(%arg14 : memref<32xf32, #tpu.memory_space<vmem>>) target_semaphore(%run_scoped3A : memref<!tpu.dma_semaphore, #tpu.memory_space<semaphore_mem>>)
      tpu.wait_dma2 semaphore(%run_scoped3A : memref<!tpu.dma_semaphore, #tpu.memory_space<semaphore_mem>>) src(%arg6 : memref<32xf32, #tpu.memory_space<hbm>>) dst(%arg14 : memref<32xf32, #tpu.memory_space<vmem>>)
      tpu.yield
    }) : () -> ()
    %barrier3A = arith.constant 0 : index
    tpu.barrier barrier_id(%barrier3A)
    %scan3A = arith.constant 0 : i32
    %scan3A_3 = arith.constant 0 : i32
    %scan3A_4 = arith.constant 196 : i32
    %scan3A_5 = arith.addi %scan3A_3, %scan3A_4 : i32
    %scan3A_6 = arith.constant 1 : i32
    scf.for %scan3A_14 = %scan3A_3 to %scan3A_5 step %scan3A_6  : i32 {
      %mul3A_15 = arith.constant 196 : i32
      %mul3A_16 = arith.muli %add3A, %mul3A_15 : i32
      %add3A_17 = arith.addi %mul3A_16, %scan3A_14 : i32
      %mul3A_18 = arith.constant 128 : i32
      %mul3A_19 = arith.muli %add3A_17, %mul3A_18 : i32
      "tpu.region"() ({
        %run_scoped3A = tpu.sem_alloc : memref<!tpu.dma_semaphore, #tpu.memory_space<semaphore_mem>>
        %dma_start3A_36 = tpu.memref_slice %arg2[%mul3A_19] : memref<802816xi32, #tpu.memory_space<hbm>> -> memref<128xi32, #tpu.memory_space<hbm>>
        %dma_start3A_37 = tpu.memref_slice %arg2[%mul3A_19] : memref<802816xi32, #tpu.memory_space<hbm>> -> memref<128xi32, #tpu.memory_space<hbm>>
        tpu.enqueue_dma source(%dma_start3A_37 : memref<128xi32, #tpu.memory_space<hbm>>) target(%arg9 : memref<128xi32, #tpu.memory_space<vmem>>) target_semaphore(%run_scoped3A : memref<!tpu.dma_semaphore, #tpu.memory_space<semaphore_mem>>)
        %dma_wait3A_38 = tpu.memref_slice %arg2[%mul3A_19] : memref<802816xi32, #tpu.memory_space<hbm>> -> memref<128xi32, #tpu.memory_space<hbm>>
        %dma_wait3A_39 = tpu.memref_slice %arg2[%mul3A_19] : memref<802816xi32, #tpu.memory_space<hbm>> -> memref<128xi32, #tpu.memory_space<hbm>>
        tpu.wait_dma2 semaphore(%run_scoped3A : memref<!tpu.dma_semaphore, #tpu.memory_space<semaphore_mem>>) src(%dma_wait3A_39 : memref<128xi32, #tpu.memory_space<hbm>>) dst(%arg9 : memref<128xi32, #tpu.memory_space<vmem>>)
        tpu.yield
      }) : () -> ()
      "tpu.region"() ({
        %run_scoped3A = tpu.sem_alloc : memref<!tpu.dma_semaphore, #tpu.memory_space<semaphore_mem>>
        %dma_start3A_36 = tpu.memref_slice %arg3[%mul3A_19] : memref<802816xi32, #tpu.memory_space<hbm>> -> memref<128xi32, #tpu.memory_space<hbm>>
        %dma_start3A_37 = tpu.memref_slice %arg3[%mul3A_19] : memref<802816xi32, #tpu.memory_space<hbm>> -> memref<128xi32, #tpu.memory_space<hbm>>
        tpu.enqueue_dma source(%dma_start3A_37 : memref<128xi32, #tpu.memory_space<hbm>>) target(%arg10 : memref<128xi32, #tpu.memory_space<vmem>>) target_semaphore(%run_scoped3A : memref<!tpu.dma_semaphore, #tpu.memory_space<semaphore_mem>>)
        %dma_wait3A_38 = tpu.memref_slice %arg3[%mul3A_19] : memref<802816xi32, #tpu.memory_space<hbm>> -> memref<128xi32, #tpu.memory_space<hbm>>
        %dma_wait3A_39 = tpu.memref_slice %arg3[%mul3A_19] : memref<802816xi32, #tpu.memory_space<hbm>> -> memref<128xi32, #tpu.memory_space<hbm>>
        tpu.wait_dma2 semaphore(%run_scoped3A : memref<!tpu.dma_semaphore, #tpu.memory_space<semaphore_mem>>) src(%dma_wait3A_39 : memref<128xi32, #tpu.memory_space<hbm>>) dst(%arg10 : memref<128xi32, #tpu.memory_space<vmem>>)
        tpu.yield
      }) : () -> ()
      %dma_start3A = arith.constant 0 : i32
      %dma_start3A_20 = arith.constant 0 : i32
      %dma_start3A_21 = tpu.memref_slice %arg4[%dma_start3A, %dma_start3A_20] : memref<50000x32xf32, #tpu.memory_space<hbm>> -> memref<50000x32xf32, #tpu.memory_space<hbm>>
      tpu.enqueue_indirect_dma source(%dma_start3A_21 : memref<50000x32xf32, #tpu.memory_space<hbm>>) target(%arg11 : memref<128x32xf32, #tpu.memory_space<vmem>>) offsets(%arg9 : memref<128xi32, #tpu.memory_space<vmem>>) semaphore(%arg16 : memref<!tpu.dma_semaphore, #tpu.memory_space<semaphore_mem>>)
      %dma_start3A_22 = arith.constant 0 : i32
      %dma_start3A_23 = arith.constant 0 : i32
      %dma_start3A_24 = tpu.memref_slice %arg5[%dma_start3A_22, %dma_start3A_23] : memref<50000x32xf32, #tpu.memory_space<hbm>> -> memref<50000x32xf32, #tpu.memory_space<hbm>>
      tpu.enqueue_indirect_dma source(%dma_start3A_24 : memref<50000x32xf32, #tpu.memory_space<hbm>>) target(%arg12 : memref<128x32xf32, #tpu.memory_space<vmem>>) offsets(%arg10 : memref<128xi32, #tpu.memory_space<vmem>>) semaphore(%arg17 : memref<!tpu.dma_semaphore, #tpu.memory_space<semaphore_mem>>)
      %dma_wait3A = arith.constant 0 : i32
      %dma_wait3A_25 = arith.constant 0 : i32
      %dma_wait3A_26 = tpu.memref_slice %arg4[%dma_wait3A, %dma_wait3A_25] : memref<50000x32xf32, #tpu.memory_space<hbm>> -> memref<50000x32xf32, #tpu.memory_space<hbm>>
      tpu.wait_indirect_dma semaphore(%arg16 : memref<!tpu.dma_semaphore, #tpu.memory_space<semaphore_mem>>) src(%dma_wait3A_26 : memref<50000x32xf32, #tpu.memory_space<hbm>>) dst(%arg11 : memref<128x32xf32, #tpu.memory_space<vmem>>)
      %dma_wait3A_27 = arith.constant 0 : i32
      %dma_wait3A_28 = arith.constant 0 : i32
      %dma_wait3A_29 = tpu.memref_slice %arg5[%dma_wait3A_27, %dma_wait3A_28] : memref<50000x32xf32, #tpu.memory_space<hbm>> -> memref<50000x32xf32, #tpu.memory_space<hbm>>
      tpu.wait_indirect_dma semaphore(%arg17 : memref<!tpu.dma_semaphore, #tpu.memory_space<semaphore_mem>>) src(%dma_wait3A_29 : memref<50000x32xf32, #tpu.memory_space<hbm>>) dst(%arg12 : memref<128x32xf32, #tpu.memory_space<vmem>>)
      %scan3A_30 = arith.constant 0 : i32
      %scan3A_31 = arith.constant 0 : i32
      %scan3A_32 = arith.constant 8 : i32
      %scan3A_33 = arith.addi %scan3A_31, %scan3A_32 : i32
      %scan3A_34 = arith.constant 1 : i32
      scf.for %scan3A_36 = %scan3A_31 to %scan3A_33 step %scan3A_34  : i32 {
        %mul3A_37 = arith.constant 16 : i32
        %mul3A_38 = arith.muli %scan3A_36, %mul3A_37 : i32
        %add3A_39 = vector.broadcast %mul3A_38 : i32 to vector<16xi32>
        %add3A_40 = arith.addi %add3A_39, %iota3A : vector<16xi32>
        %broadcast_in_dim3A = arith.constant 0 : i32
        %broadcast_in_dim3A_41 = vector.broadcast %broadcast_in_dim3A : i32 to vector<16xi32>
        %broadcast_in_dim3A_42 = arith.constant 0.000000e+00 : f32
        %broadcast_in_dim3A_43 = vector.broadcast %broadcast_in_dim3A_42 : f32 to vector<16xf32>
        %broadcast_in_dim3A_44 = arith.constant 0.000000e+00 : f32
        %broadcast_in_dim3A_45 = vector.broadcast %broadcast_in_dim3A_44 : f32 to vector<16xf32>
        %scan3A_46 = arith.constant 0 : i32
        %scan3A_47 = arith.constant 32 : i32
        %scan3A_48 = arith.addi %scan3A_46, %scan3A_47 : i32
        %scan3A_49 = arith.constant 1 : i32
        %scan3A_50:2 = scf.for %scan3A_56 = %scan3A_46 to %scan3A_48 step %scan3A_49 iter_args(%scan3A_57 = %broadcast_in_dim3A_43, %scan3A_58 = %broadcast_in_dim3A_45) -> (vector<16xf32>, vector<16xf32>)  : i32 {
          %add3A_59 = vector.broadcast %scan3A_56 : i32 to vector<16xi32>
          %add3A_60 = arith.addi %broadcast_in_dim3A_41, %add3A_59 : vector<16xi32>
          %gather3A = tpu.vector_load_idx %arg11[%add3A_40, %add3A_60] : memref<128x32xf32, #tpu.memory_space<vmem>>[vector<16xi32>, vector<16xi32>], vector<16xf32>,
          %gather3A_61 = tpu.vector_load_idx %arg12[%add3A_40, %add3A_60] : memref<128x32xf32, #tpu.memory_space<vmem>>[vector<16xi32>, vector<16xi32>], vector<16xf32>,
          %gather3A_62 = tpu.vector_load_idx %arg14[%add3A_60] : memref<32xf32, #tpu.memory_space<vmem>>[vector<16xi32>], vector<16xf32>,
          %add3A_63 = arith.addf %gather3A, %gather3A_61 : vector<16xf32>
          %mul3A_64 = arith.constant 2.000000e-01 : f32
          %mul3A_65 = vector.broadcast %mul3A_64 : f32 to vector<16xf32>
          %mul3A_66 = arith.mulf %mul3A_65, %add3A_63 : vector<16xf32>
          %max3A = arith.maximumf %add3A_63, %mul3A_66 : vector<16xf32>
          %mul3A_67 = arith.mulf %max3A, %gather3A_62 : vector<16xf32>
          %add3A_68 = arith.addf %scan3A_57, %mul3A_67 : vector<16xf32>
          %add3A_69 = arith.addf %scan3A_58, %gather3A : vector<16xf32>
          scf.yield %add3A_68, %add3A_69 : vector<16xf32>, vector<16xf32>
        }
        %scan3A_51 = arith.constant 32 : i32
        %exp3A = math.exp %scan3A_50#0 : vector<16xf32>
        %mul3A_52 = arith.mulf %exp3A, %scan3A_50#1 : vector<16xf32>
        tpu.vector_store_idx %arg13[%add3A_40, %broadcast_in_dim3A_41], %mul3A_52 : memref<128x8xf32, #tpu.memory_space<vmem>>[vector<16xi32>, vector<16xi32>], vector<16xf32>,
        %add3A_53 = arith.constant 1 : i32
        %add3A_54 = vector.broadcast %add3A_53 : i32 to vector<16xi32>
        %add3A_55 = arith.addi %broadcast_in_dim3A_41, %add3A_54 : vector<16xi32>
        tpu.vector_store_idx %arg13[%add3A_40, %add3A_55], %exp3A : memref<128x8xf32, #tpu.memory_space<vmem>>[vector<16xi32>, vector<16xi32>], vector<16xf32>,
      }
      %scan3A_35 = arith.constant 8 : i32
      "tpu.region"() ({
        %run_scoped3A = tpu.sem_alloc : memref<!tpu.dma_semaphore, #tpu.memory_space<semaphore_mem>>
        %dma_start3A_36 = arith.constant 0 : i32
        %dma_start3A_37 = arith.constant 0 : i32
        %dma_start3A_38 = tpu.memref_slice %arg15[%dma_start3A_36, %dma_start3A_37] : memref<50016x8xf32, #tpu.memory_space<vmem_shared>> -> memref<50016x8xf32, #tpu.memory_space<vmem_shared>>
        tpu.enqueue_indirect_dma source(%arg13 : memref<128x8xf32, #tpu.memory_space<vmem>>) target(%dma_start3A_38 : memref<50016x8xf32, #tpu.memory_space<vmem_shared>>) offsets(%arg10 : memref<128xi32, #tpu.memory_space<vmem>>) semaphore(%run_scoped3A : memref<!tpu.dma_semaphore, #tpu.memory_space<semaphore_mem>>) {add = true}
        %dma_wait3A_39 = arith.constant 0 : i32
        %dma_wait3A_40 = arith.constant 0 : i32
        %dma_wait3A_41 = tpu.memref_slice %arg15[%dma_wait3A_39, %dma_wait3A_40] : memref<50016x8xf32, #tpu.memory_space<vmem_shared>> -> memref<50016x8xf32, #tpu.memory_space<vmem_shared>>
        tpu.wait_indirect_dma semaphore(%run_scoped3A : memref<!tpu.dma_semaphore, #tpu.memory_space<semaphore_mem>>) src(%arg13 : memref<128x8xf32, #tpu.memory_space<vmem>>) dst(%dma_wait3A_41 : memref<50016x8xf32, #tpu.memory_space<vmem_shared>>)
        tpu.yield
      }) : () -> ()
    }
    %scan3A_7 = arith.constant 196 : i32
    %barrier3A_8 = arith.constant 0 : index
    tpu.barrier barrier_id(%barrier3A_8)
    %eq3A_9 = arith.constant 0 : i32
    %eq3A_10 = arith.cmpi eq, %arg1, %eq3A_9 : i32
    %convert_element_type3A_11 = arith.extui %eq3A_10 : i1 to i32
    %cond3A_12 = arith.constant 0 : i32
    %cond3A_13 = arith.cmpi ne, %convert_element_type3A_11, %cond3A_12 : i32
    scf.if %cond3A_13 {
      "tpu.region"() ({
        %run_scoped3A = tpu.sem_alloc : memref<!tpu.dma_semaphore, #tpu.memory_space<semaphore_mem>>
        %dma_start3A = arith.constant 0 : i32
        %dma_start3A_14 = arith.constant 0 : i32
        %dma_start3A_15 = tpu.memref_slice %arg8[%arg0, %dma_start3A, %dma_start3A_14] : memref<2x50016x8xf32, #tpu.memory_space<hbm>> -> memref<1x50016x8xf32, #tpu.memory_space<hbm>>
        %dma_start3A_16 = tpu.memref_squeeze %dma_start3A_15 : memref<1x50016x8xf32, #tpu.memory_space<hbm>> -> memref<50016x8xf32, #tpu.memory_space<hbm>>
        tpu.enqueue_dma source(%arg15 : memref<50016x8xf32, #tpu.memory_space<vmem_shared>>) target(%dma_start3A_16 : memref<50016x8xf32, #tpu.memory_space<hbm>>) target_semaphore(%run_scoped3A : memref<!tpu.dma_semaphore, #tpu.memory_space<semaphore_mem>>)
        %dma_wait3A = arith.constant 0 : i32
        %dma_wait3A_17 = arith.constant 0 : i32
        %dma_wait3A_18 = tpu.memref_slice %arg8[%arg0, %dma_wait3A, %dma_wait3A_17] : memref<2x50016x8xf32, #tpu.memory_space<hbm>> -> memref<1x50016x8xf32, #tpu.memory_space<hbm>>
        %dma_wait3A_19 = tpu.memref_squeeze %dma_wait3A_18 : memref<1x50016x8xf32, #tpu.memory_space<hbm>> -> memref<50016x8xf32, #tpu.memory_space<hbm>>
        tpu.wait_dma2 semaphore(%run_scoped3A : memref<!tpu.dma_semaphore, #tpu.memory_space<semaphore_mem>>) src(%arg15 : memref<50016x8xf32, #tpu.memory_space<vmem_shared>>) dst(%dma_wait3A_19 : memref<50016x8xf32, #tpu.memory_space<hbm>>)
        tpu.yield
      }) : () -> ()
    } else {
    }
    return
  }
}

module attributes {stable_mosaic.version = 14 : i64} {
  func.func @_alpha_body(%arg0: i32, %arg1: memref<4096x80xf32, #tpu.memory_space<vmem>>, %arg2: memref<4096x80xf32, #tpu.memory_space<vmem>>, %arg3: memref<16x32xf32, #tpu.memory_space<vmem>>, %arg4: memref<1x32xf32, #tpu.memory_space<vmem>>, %arg5: memref<32x64xf32, #tpu.memory_space<vmem>>, %arg6: memref<1x64xf32, #tpu.memory_space<vmem>>, %arg7: memref<64x2xf32, #tpu.memory_space<vmem>>, %arg8: memref<4096x8xf32, #tpu.memory_space<vmem>>) attributes {dimension_semantics = [#tpu.dimension_semantics<arbitrary>], iteration_bounds = array<i64: 196>, scalar_prefetch = 0 : i64, scratch_operands = 0 : i64, tpu.core_type = #tpu.core_type<tc>, window_params = [{transform_indices = @transform_0, window_bounds = array<i64: 4096, 80>}, {transform_indices = @transform_1, window_bounds = array<i64: 4096, 80>}, {pipeline_mode = #tpu.pipeline_mode<synchronous>, transform_indices = @transform_2, window_bounds = array<i64: 16, 32>}, {pipeline_mode = #tpu.pipeline_mode<synchronous>, transform_indices = @transform_3, window_bounds = array<i64: 1, 32>}, {pipeline_mode = #tpu.pipeline_mode<synchronous>, transform_indices = @transform_4, window_bounds = array<i64: 32, 64>}, {pipeline_mode = #tpu.pipeline_mode<synchronous>, transform_indices = @transform_5, window_bounds = array<i64: 1, 64>}, {pipeline_mode = #tpu.pipeline_mode<synchronous>, transform_indices = @transform_6, window_bounds = array<i64: 64, 2>}, {transform_indices = @transform_7, window_bounds = array<i64: 4096, 8>}]} {
    %get3A = arith.constant 0 : index
    %get3A_0 = arith.constant 0 : index
    %get3A_1 = vector.load %arg1[%get3A, %get3A_0] : memref<4096x80xf32, #tpu.memory_space<vmem>>, vector<4096x80xf32>
    %get3A_2 = arith.constant 0 : index
    %get3A_3 = arith.constant 0 : index
    %get3A_4 = vector.load %arg2[%get3A_2, %get3A_3] : memref<4096x80xf32, #tpu.memory_space<vmem>>, vector<4096x80xf32>
    %slice3A = vector.extract_strided_slice %get3A_1 {offsets = [0, 0], sizes = [4096, 16], strides = [1, 1]} : vector<4096x80xf32> to vector<4096x16xf32>
    %slice3A_5 = vector.extract_strided_slice %get3A_4 {offsets = [0, 0], sizes = [4096, 16], strides = [1, 1]} : vector<4096x80xf32> to vector<4096x16xf32>
    %mul3A = arith.mulf %slice3A, %slice3A_5 : vector<4096x16xf32>
    %slice3A_6 = vector.extract_strided_slice %get3A_1 {offsets = [0, 16], sizes = [4096, 64], strides = [1, 1]} : vector<4096x80xf32> to vector<4096x64xf32>
    %get3A_7 = arith.constant 0 : index
    %get3A_8 = arith.constant 0 : index
    %get3A_9 = vector.load %arg3[%get3A_7, %get3A_8] : memref<16x32xf32, #tpu.memory_space<vmem>>, vector<16x32xf32>
    %dot_general3A = arith.constant dense<0.000000e+00> : vector<4096x32xf32>
    %dot_general3A_10 = tpu.matmul %mul3A, %get3A_9, %dot_general3A {dimension_numbers = #tpu.dot_dimension_numbers<[1], [0], [0], [1], [0, 0, 1, 1], [], []>, transpose_lhs_hint = false} : vector<4096x16xf32>, vector<16x32xf32>, vector<4096x32xf32> -> vector<4096x32xf32>
    %get3A_11 = arith.constant 0 : index
    %get3A_12 = arith.constant 0 : index
    %get3A_13 = vector.load %arg4[%get3A_11, %get3A_12] : memref<1x32xf32, #tpu.memory_space<vmem>>, vector<1x32xf32>
    %add3A = vector.broadcast %get3A_13 : vector<1x32xf32> to vector<4096x32xf32>
    %add3A_14 = arith.addf %dot_general3A_10, %add3A : vector<4096x32xf32>
    %logistic3A = arith.negf %add3A_14 : vector<4096x32xf32>
    %logistic3A_15 = math.exp %logistic3A : vector<4096x32xf32>
    %logistic3A_16 = arith.constant 1.000000e+00 : f32
    %logistic3A_17 = vector.broadcast %logistic3A_16 : f32 to vector<4096x32xf32>
    %logistic3A_18 = arith.addf %logistic3A_17, %logistic3A_15 : vector<4096x32xf32>
    %logistic3A_19 = arith.divf %logistic3A_17, %logistic3A_18 : vector<4096x32xf32>
    %get3A_20 = arith.constant 0 : index
    %get3A_21 = arith.constant 0 : index
    %get3A_22 = vector.load %arg5[%get3A_20, %get3A_21] : memref<32x64xf32, #tpu.memory_space<vmem>>, vector<32x64xf32>
    %dot_general3A_23 = arith.constant dense<0.000000e+00> : vector<4096x64xf32>
    %dot_general3A_24 = tpu.matmul %logistic3A_19, %get3A_22, %dot_general3A_23 {dimension_numbers = #tpu.dot_dimension_numbers<[1], [0], [0], [1], [0, 0, 1, 1], [], []>, transpose_lhs_hint = false} : vector<4096x32xf32>, vector<32x64xf32>, vector<4096x64xf32> -> vector<4096x64xf32>
    %add3A_25 = arith.addf %get3A_1, %get3A_4 : vector<4096x80xf32>
    %slice3A_26 = vector.extract_strided_slice %add3A_25 {offsets = [0, 16], sizes = [4096, 64], strides = [1, 1]} : vector<4096x80xf32> to vector<4096x64xf32>
    %add3A_27 = arith.addf %slice3A_26, %dot_general3A_24 : vector<4096x64xf32>
    %mul3A_28 = arith.constant 2.000000e-01 : f32
    %mul3A_29 = vector.broadcast %mul3A_28 : f32 to vector<4096x64xf32>
    %mul3A_30 = arith.mulf %mul3A_29, %add3A_27 : vector<4096x64xf32>
    %max3A = arith.maximumf %add3A_27, %mul3A_30 : vector<4096x64xf32>
    %get3A_31 = arith.constant 0 : index
    %get3A_32 = arith.constant 0 : index
    %get3A_33 = vector.load %arg6[%get3A_31, %get3A_32] : memref<1x64xf32, #tpu.memory_space<vmem>>, vector<1x64xf32>
    %mul3A_34 = vector.broadcast %get3A_33 : vector<1x64xf32> to vector<4096x64xf32>
    %mul3A_35 = arith.mulf %max3A, %mul3A_34 : vector<4096x64xf32>
    %get3A_36 = arith.constant 0 : index
    %get3A_37 = arith.constant 0 : index
    %get3A_38 = vector.load %arg7[%get3A_36, %get3A_37] : memref<64x2xf32, #tpu.memory_space<vmem>>, vector<64x2xf32>
    %dot_general3A_39 = arith.constant dense<0.000000e+00> : vector<4096x2xf32>
    %dot_general3A_40 = tpu.matmul %mul3A_35, %get3A_38, %dot_general3A_39 {dimension_numbers = #tpu.dot_dimension_numbers<[1], [0], [0], [1], [0, 0, 1, 1], [], []>, transpose_lhs_hint = false} : vector<4096x64xf32>, vector<64x2xf32>, vector<4096x2xf32> -> vector<4096x2xf32>
    %exp3A = math.exp %dot_general3A_40 : vector<4096x2xf32>
    %slice3A_41 = vector.extract_strided_slice %slice3A_6 {offsets = [0, 0], sizes = [4096, 32], strides = [1, 1]} : vector<4096x64xf32> to vector<4096x32xf32>
    %reduce_sum3A = arith.constant dense<0.000000e+00> : vector<4096xf32>
    %reduce_sum3A_42 = vector.multi_reduction <add>, %slice3A_41, %reduce_sum3A [1] : vector<4096x32xf32> to vector<4096xf32>
    %broadcast_in_dim3A = vector.shape_cast %reduce_sum3A_42 : vector<4096xf32> to vector<4096x1xf32>
    %slice3A_43 = vector.extract_strided_slice %slice3A_6 {offsets = [0, 32], sizes = [4096, 32], strides = [1, 1]} : vector<4096x64xf32> to vector<4096x32xf32>
    %reduce_sum3A_44 = arith.constant dense<0.000000e+00> : vector<4096xf32>
    %reduce_sum3A_45 = vector.multi_reduction <add>, %slice3A_43, %reduce_sum3A_44 [1] : vector<4096x32xf32> to vector<4096xf32>
    %broadcast_in_dim3A_46 = vector.shape_cast %reduce_sum3A_45 : vector<4096xf32> to vector<4096x1xf32>
    %concatenate3A = tpu.concatenate %broadcast_in_dim3A, %broadcast_in_dim3A_46 in 1 : vector<4096x1xf32>, vector<4096x1xf32> -> vector<4096x2xf32>
    %broadcast_in_dim3A_47 = arith.constant 0.000000e+00 : f32
    %broadcast_in_dim3A_48 = vector.broadcast %broadcast_in_dim3A_47 : f32 to vector<4096x2xf32>
    %mul3A_49 = arith.mulf %exp3A, %concatenate3A : vector<4096x2xf32>
    %concatenate3A_50 = tpu.concatenate %mul3A_49, %exp3A, %broadcast_in_dim3A_48, %broadcast_in_dim3A_48 in 1 : vector<4096x2xf32>, vector<4096x2xf32>, vector<4096x2xf32>, vector<4096x2xf32> -> vector<4096x8xf32>
    %swap3A = arith.constant 0 : index
    %swap3A_51 = arith.constant 0 : index
    %swap3A_52 = vector.load %arg8[%swap3A, %swap3A_51] : memref<4096x8xf32, #tpu.memory_space<vmem>>, vector<4096x8xf32>
    tpu.vector_store %arg8[%swap3A, %swap3A_51], %concatenate3A_50 {strides = array<i32>} : memref<4096x8xf32, #tpu.memory_space<vmem>>, vector<4096x8xf32>,
    return
  }
  func.func @transform_0(%arg0: i32) -> (i32, i32) {
    %c0_i32 = arith.constant 0 : i32
    %c0_i32_0 = arith.constant 0 : i32
    return %arg0, %c0_i32 : i32, i32
  }
  func.func @transform_1(%arg0: i32) -> (i32, i32) {
    %c0_i32 = arith.constant 0 : i32
    %c0_i32_0 = arith.constant 0 : i32
    return %arg0, %c0_i32 : i32, i32
  }
  func.func @transform_2(%arg0: i32) -> (i32, i32) {
    %c0_i32 = arith.constant 0 : i32
    %c0_i32_0 = arith.constant 0 : i32
    %c0_i32_1 = arith.constant 0 : i32
    return %c0_i32, %c0_i32_0 : i32, i32
  }
  func.func @transform_3(%arg0: i32) -> (i32, i32) {
    %c0_i32 = arith.constant 0 : i32
    %c0_i32_0 = arith.constant 0 : i32
    %c0_i32_1 = arith.constant 0 : i32
    return %c0_i32, %c0_i32_0 : i32, i32
  }
  func.func @transform_4(%arg0: i32) -> (i32, i32) {
    %c0_i32 = arith.constant 0 : i32
    %c0_i32_0 = arith.constant 0 : i32
    %c0_i32_1 = arith.constant 0 : i32
    return %c0_i32, %c0_i32_0 : i32, i32
  }
  func.func @transform_5(%arg0: i32) -> (i32, i32) {
    %c0_i32 = arith.constant 0 : i32
    %c0_i32_0 = arith.constant 0 : i32
    %c0_i32_1 = arith.constant 0 : i32
    return %c0_i32, %c0_i32_0 : i32, i32
  }
  func.func @transform_6(%arg0: i32) -> (i32, i32) {
    %c0_i32 = arith.constant 0 : i32
    %c0_i32_0 = arith.constant 0 : i32
    %c0_i32_1 = arith.constant 0 : i32
    return %c0_i32, %c0_i32_0 : i32, i32
  }
  func.func @transform_7(%arg0: i32) -> (i32, i32) {
    %c0_i32 = arith.constant 0 : i32
    %c0_i32_0 = arith.constant 0 : i32
    return %arg0, %c0_i32 : i32, i32
  }
}

module attributes {stable_mosaic.version = 14 : i64} {
  func.func @_head_body(%arg0: i32, %arg1: memref<5x4000xf32, #tpu.memory_space<vmem>>, %arg2: memref<4000x512xf32, #tpu.memory_space<vmem>>, %arg3: memref<1x512xf32, #tpu.memory_space<vmem>>, %arg4: memref<512x20xf32, #tpu.memory_space<vmem>>, %arg5: memref<1x20xf32, #tpu.memory_space<vmem>>, %arg6: memref<5x20xf32, #tpu.memory_space<vmem>>) attributes {dimension_semantics = [#tpu.dimension_semantics<arbitrary>], iteration_bounds = array<i64: 8>, scalar_prefetch = 0 : i64, scratch_operands = 0 : i64, tpu.core_type = #tpu.core_type<tc>, window_params = [{pipeline_mode = #tpu.pipeline_mode<synchronous>, transform_indices = @transform_0, window_bounds = array<i64: 5, 4000>}, {transform_indices = @transform_1, window_bounds = array<i64: 4000, 512>}, {transform_indices = @transform_2, window_bounds = array<i64: 1, 512>}, {transform_indices = @transform_3, window_bounds = array<i64: 512, 20>}, {pipeline_mode = #tpu.pipeline_mode<synchronous>, transform_indices = @transform_4, window_bounds = array<i64: 1, 20>}, {pipeline_mode = #tpu.pipeline_mode<synchronous>, transform_indices = @transform_5, window_bounds = array<i64: 5, 20>}]} {
    %get3A = arith.constant 0 : index
    %get3A_0 = arith.constant 0 : index
    %get3A_1 = vector.load %arg1[%get3A, %get3A_0] : memref<5x4000xf32, #tpu.memory_space<vmem>>, vector<5x4000xf32>
    %get3A_2 = arith.constant 0 : index
    %get3A_3 = arith.constant 0 : index
    %get3A_4 = vector.load %arg2[%get3A_2, %get3A_3] : memref<4000x512xf32, #tpu.memory_space<vmem>>, vector<4000x512xf32>
    %dot_general3A = arith.constant dense<0.000000e+00> : vector<5x512xf32>
    %dot_general3A_5 = tpu.matmul %get3A_1, %get3A_4, %dot_general3A {dimension_numbers = #tpu.dot_dimension_numbers<[1], [0], [0], [1], [0, 0, 1, 1], [], []>, transpose_lhs_hint = false} : vector<5x4000xf32>, vector<4000x512xf32>, vector<5x512xf32> -> vector<5x512xf32>
    %get3A_6 = arith.constant 0 : index
    %get3A_7 = arith.constant 0 : index
    %get3A_8 = vector.load %arg3[%get3A_6, %get3A_7] : memref<1x512xf32, #tpu.memory_space<vmem>>, vector<1x512xf32>
    %add3A = vector.broadcast %get3A_8 : vector<1x512xf32> to vector<5x512xf32>
    %add3A_9 = arith.addf %dot_general3A_5, %add3A : vector<5x512xf32>
    %max3A = arith.constant 0.000000e+00 : f32
    %max3A_10 = vector.broadcast %max3A : f32 to vector<5x512xf32>
    %max3A_11 = arith.maximumf %add3A_9, %max3A_10 : vector<5x512xf32>
    %get3A_12 = arith.constant 0 : index
    %get3A_13 = arith.constant 0 : index
    %get3A_14 = vector.load %arg4[%get3A_12, %get3A_13] : memref<512x20xf32, #tpu.memory_space<vmem>>, vector<512x20xf32>
    %dot_general3A_15 = arith.constant dense<0.000000e+00> : vector<5x20xf32>
    %dot_general3A_16 = tpu.matmul %max3A_11, %get3A_14, %dot_general3A_15 {dimension_numbers = #tpu.dot_dimension_numbers<[1], [0], [0], [1], [0, 0, 1, 1], [], []>, transpose_lhs_hint = false} : vector<5x512xf32>, vector<512x20xf32>, vector<5x20xf32> -> vector<5x20xf32>
    %eq3A = arith.constant 0 : i32
    %eq3A_17 = arith.cmpi eq, %arg0, %eq3A : i32
    %convert_element_type3A = arith.extui %eq3A_17 : i1 to i32
    %cond3A = arith.constant 0 : i32
    %cond3A_18 = arith.cmpi ne, %convert_element_type3A, %cond3A : i32
    scf.if %cond3A_18 {
      %get3A_23 = arith.constant 0 : index
      %get3A_24 = arith.constant 0 : index
      %get3A_25 = vector.load %arg5[%get3A_23, %get3A_24] : memref<1x20xf32, #tpu.memory_space<vmem>>, vector<1x20xf32>
      %add3A_26 = vector.broadcast %get3A_25 : vector<1x20xf32> to vector<5x20xf32>
      %add3A_27 = arith.addf %dot_general3A_16, %add3A_26 : vector<5x20xf32>
      %swap3A = arith.constant 0 : index
      %swap3A_28 = arith.constant 0 : index
      %swap3A_29 = vector.load %arg6[%swap3A, %swap3A_28] : memref<5x20xf32, #tpu.memory_space<vmem>>, vector<5x20xf32>
      tpu.vector_store %arg6[%swap3A, %swap3A_28], %add3A_27 {strides = array<i32>} : memref<5x20xf32, #tpu.memory_space<vmem>>, vector<5x20xf32>,
    } else {
    }
    %ne3A = arith.constant 0 : i32
    %ne3A_19 = arith.cmpi ne, %arg0, %ne3A : i32
    %convert_element_type3A_20 = arith.extui %ne3A_19 : i1 to i32
    %cond3A_21 = arith.constant 0 : i32
    %cond3A_22 = arith.cmpi ne, %convert_element_type3A_20, %cond3A_21 : i32
    scf.if %cond3A_22 {
      %get3A_23 = arith.constant 0 : index
      %get3A_24 = arith.constant 0 : index
      %get3A_25 = vector.load %arg6[%get3A_23, %get3A_24] : memref<5x20xf32, #tpu.memory_space<vmem>>, vector<5x20xf32>
      %add3A_26 = arith.addf %get3A_25, %dot_general3A_16 : vector<5x20xf32>
      %swap3A = arith.constant 0 : index
      %swap3A_27 = arith.constant 0 : index
      %swap3A_28 = vector.load %arg6[%swap3A, %swap3A_27] : memref<5x20xf32, #tpu.memory_space<vmem>>, vector<5x20xf32>
      tpu.vector_store %arg6[%swap3A, %swap3A_27], %add3A_26 {strides = array<i32>} : memref<5x20xf32, #tpu.memory_space<vmem>>, vector<5x20xf32>,
    } else {
    }
    return
  }
  func.func @transform_0(%arg0: i32) -> (i32, i32) {
    %c0_i32 = arith.constant 0 : i32
    %c0_i32_0 = arith.constant 0 : i32
    %c0_i32_1 = arith.constant 0 : i32
    return %c0_i32, %c0_i32_0 : i32, i32
  }
  func.func @transform_1(%arg0: i32) -> (i32, i32) {
    %c0_i32 = arith.constant 0 : i32
    %c0_i32_0 = arith.constant 0 : i32
    return %c0_i32, %arg0 : i32, i32
  }
  func.func @transform_2(%arg0: i32) -> (i32, i32) {
    %c0_i32 = arith.constant 0 : i32
    %c0_i32_0 = arith.constant 0 : i32
    return %c0_i32, %arg0 : i32, i32
  }
  func.func @transform_3(%arg0: i32) -> (i32, i32) {
    %c0_i32 = arith.constant 0 : i32
    %c0_i32_0 = arith.constant 0 : i32
    return %arg0, %c0_i32 : i32, i32
  }
  func.func @transform_4(%arg0: i32) -> (i32, i32) {
    %c0_i32 = arith.constant 0 : i32
    %c0_i32_0 = arith.constant 0 : i32
    %c0_i32_1 = arith.constant 0 : i32
    return %c0_i32, %c0_i32_0 : i32, i32
  }
  func.func @transform_5(%arg0: i32) -> (i32, i32) {
    %c0_i32 = arith.constant 0 : i32
    %c0_i32_0 = arith.constant 0 : i32
    %c0_i32_1 = arith.constant 0 : i32
    return %c0_i32, %c0_i32_0 : i32, i32
  }
}

</mosaic_0001>

<sc_bundles>
// kernel: kernel.10.cloned.1.call-start
scs
__scs_entry_jumppad:
0x0: {  	(pc) =	sbr.rel $0x88, $3  }
0x1: {  	(tag) =	ssettag $0x0;
	lr =	simm.s32 $0x1  }
0x2: {  	[smem:$0x3F85] =	sst lr;
	_ =	strace $0xD0000000  }
0x3: {  	_ = 	snop  }
0x4: {  	_ = 	snop  }
0x5: {  	_ = 	snop  }
0x6: {  	_ = 	snop  }
0x7: {  	_ = 	snop  }
__scs_overlays_trampoline_lowered:
0x8: {  	[smem:$0x3F94] =	sst s0  }
0x9: {  	[smem:$0x3F95] =	sst s1  }
0xa: {  	[smem:$0x3F96] =	sst s2  }
0xb: {  	[smem:$0x3F97] =	sst s3  }
0xc: {  	[smem:$0x3F98] =	sst s4  }
0xd: {  	[smem:$0x3F99] =	sst s5  }
0xe: {  	[smem:$0x3F9A] =	sst s6  }
0xf: {  	[smem:$0x3F9B] =	sst s7  }
0x10: {  	[smem:$0x3F9C] =	sst s8  }
0x11: {  	[smem:$0x3F9D] =	sst s9;
	s0 =	simm.s32 @!p0 $0x0  }
0x12: {  	s1 =	sld [smem:$0x3F83];
	s0 =	simm.s32 @p0 $0x1  }
0x13: {  	[smem:$0x3F9E] =	sst s0;
	s0 =	simm.s32 @!p1 $0x0  }
0x14: {  	s2 =	sld [smem:$0x3F82];
	s0 =	simm.s32 @p1 $0x1  }
0x15: {  	[smem:$0x3F9F] =	sst s0;
	s0 =	simm.s32 @!p2 $0x0  }
0x16: {  	s3 =	sld [smem:$0x3FDB];
	s0 =	simm.s32 @p2 $0x1  }
0x17: {  	s4 =	simm.s32 $0x1BF5;
	[smem:$0x3FA1] =	sst s0  }
0x18: {  	s0 =	sld [smem:$0x3F84];
	_ =	swait.ge [sflag:s4], $0x0  }
0x19: {  	s7 =	sld [smem:$0x3F85]  }
0x1a: {  	s8 =	sadd.s32 $0xFFFFE003, lr  }
0x1b: {  	s9 =	sadd.s32 $0xFFFFFEF7, lr;
	s5 =	simm.s32 $0xFFFFFFFF;
	p2 =	slt.u32 s8, $0xFFFFF086  }
0x1c: {  	p1 =	slt.u32 s9, $0xF7A;
	s5 =	simm.s32 @!p2 $0x0  }
0x1d: {  	s5 =	simm.s32 @p1 $0x1;
	p0 =	seq.s32 s7, s2  }
0x1e: {  	s7 =	smul.u32 @!p0 $0xF7A, s2;
	p2 =	seq.s32 @!p0 s5, $0x0  }
0x1f: {  	s9 =	smul.u32 $0xF7A, s1;
	s8 =	simm.s32 @!p0 $0x1BF5;
	p2 =	por !p2, p0  }
0x20: {  	[sflag:s8] =	ssyncset.s32 @!p0 $0xFFFFF086;
	s6 =	sadd.s32 @!p0 s3, s7;
	s7 =	simm.s32 @!p0 $0x108  }
0x21: {  	s3 =	sadd.s32 s3, s9;
	s6 =	sadd.s32 @!p0 $0x88, s6;
	s7 =	simm.s32 @p2 $0x1082  }
0x22: {  	[simem:s7], [sflag:s8] =	dma.local @!p0 [hbm:s6], $0xF7A  }
0x23: {  	s9 =	sor.u32 $0xD0000000, s2;
	s6 =	simm.s32 $0x108;
	_ =	swait.ge @!p0 [sflag:s8], $0x0  }
0x24: {  	s3 =	sadd.s32 $0x88, s3;
	s6 =	simm.s32 @!p1 $0x1082;
	[sflag:s4] =	ssyncset.s32 $0xFFFFF086  }
0x25: {  	[simem:s6], [sflag:s4] =	dma.local [hbm:s3], $0xF7A  }
0x26: {  	[smem:$0x3F85] =	sst s1;
	(tag) =	ssettag s2;
	_ =	strace s9  }
0x27: {  	s1 =	sld [smem:$0x3F95]  }
0x28: {  	s2 =	sld [smem:$0x3F96]  }
0x29: {  	s4 =	sld [smem:$0x3F98]  }
0x2a: {  	p0 =	seq.s32 s5, $0x0;
	s5 =	sld [smem:$0x3F99]  }
0x2b: {  	s6 =	sld [smem:$0x3F9A]  }
0x2c: {  	s7 =	sld [smem:$0x3F9B]  }
0x2d: {  	s3 =	simm.s32 $0x108;
	s8 =	sld [smem:$0x3F9C]  }
0x2e: {  	s3 =	simm.s32 @!p0 $0x1082;
	s9 =	sld [smem:$0x3F9D]  }
0x2f: {  	lr =	sadd.s32 s0, s3;
	s0 =	sld [smem:$0x3F94]  }
0x30: {  	s3 =	sld [smem:$0x3F97]  }
0x31: {  	[smem:$0x3FA0] =	sst s10  }
0x32: {  	s10 =	sld [smem:$0x3F9E];
	_ =	sdelay $0x3  }
0x33: {  	p0 =	seq.s32 s10, $0x1;
	s10 =	sld [smem:$0x3FA0];
	_ =	sdelay $0x3  }
0x34: {  	[smem:$0x3FA0] =	sst s10  }
0x35: {  	s10 =	sld [smem:$0x3F9F];
	_ =	sdelay $0x3  }
0x36: {  	p1 =	seq.s32 s10, $0x1;
	s10 =	sld [smem:$0x3FA0];
	_ =	sdelay $0x3  }
0x37: {  	[smem:$0x3FA0] =	sst s10  }
0x38: {  	s10 =	sld [smem:$0x3FA1]  }
0x39: {  	_ = 	snop;
	(pc) =	sbr.ind lr, $3  }
0x3a: {  	_ = 	snop  }
0x3b: {  	_ = 	snop  }
0x3c: {  	p2 =	seq.s32 s10, $0x1;
	s10 =	sld [smem:$0x3FA0]  }
0x3d: {  	_ =	shalt  }
0x3e: {  	_ =	shalt  }
0x3f: {  	_ =	shalt  }
0x40: {  	_ =	shalt  }
0x41: {  	_ =	shalt  }
0x42: {  	_ =	shalt  }
0x43: {  	_ =	shalt  }
0x44: {  	_ =	shalt  }
0x45: {  	_ =	shalt  }
0x46: {  	_ =	shalt  }
0x47: {  	_ =	shalt  }
0x48: {  	_ =	shalt  }
0x49: {  	_ =	shalt  }
0x4a: {  	_ =	shalt  }
0x4b: {  	_ =	shalt  }
0x4c: {  	_ =	shalt  }
0x4d: {  	_ =	shalt  }
0x4e: {  	_ =	shalt  }
0x4f: {  	_ =	shalt  }
0x50: {  	_ =	shalt  }
0x51: {  	_ =	shalt  }
0x52: {  	_ =	shalt  }
0x53: {  	_ =	shalt  }
0x54: {  	_ =	shalt  }
0x55: {  	_ =	shalt  }
0x56: {  	_ =	shalt  }
0x57: {  	_ =	shalt  }
0x58: {  	_ =	shalt  }
0x59: {  	_ =	shalt  }
0x5a: {  	_ =	shalt  }
0x5b: {  	_ =	shalt  }
0x5c: {  	_ =	shalt  }
0x5d: {  	_ =	shalt  }
0x5e: {  	_ =	shalt  }
0x5f: {  	_ =	shalt  }
0x60: {  	_ =	shalt  }
0x61: {  	_ =	shalt  }
0x62: {  	_ =	shalt  }
0x63: {  	_ =	shalt  }
0x64: {  	_ =	shalt  }
0x65: {  	_ =	shalt  }
0x66: {  	_ =	shalt  }
0x67: {  	_ =	shalt  }
0x68: {  	_ =	shalt  }
0x69: {  	_ =	shalt  }
0x6a: {  	_ =	shalt  }
0x6b: {  	_ =	shalt  }
0x6c: {  	_ =	shalt  }
0x6d: {  	_ =	shalt  }
0x6e: {  	_ =	shalt  }
0x6f: {  	_ =	shalt  }
0x70: {  	_ =	shalt  }
0x71: {  	_ =	shalt  }
0x72: {  	_ =	shalt  }
0x73: {  	_ =	shalt  }
0x74: {  	_ =	shalt  }
0x75: {  	_ =	shalt  }
0x76: {  	_ =	shalt  }
0x77: {  	_ =	shalt  }
0x78: {  	_ =	shalt  }
0x79: {  	_ =	shalt  }
0x7a: {  	_ =	shalt  }
0x7b: {  	_ =	shalt  }
0x7c: {  	_ =	shalt  }
0x7d: {  	_ =	shalt  }
0x7e: {  	_ =	shalt  }
0x7f: {  	_ =	shalt  }
0x80: {  	_ =	shalt  }
0x81: {  	_ =	shalt  }
0x82: {  	_ =	shalt  }
0x83: {  	_ =	shalt  }
0x84: {  	_ =	shalt  }
0x85: {  	_ =	shalt  }
0x86: {  	_ =	shalt  }
0x87: {  	_ =	shalt  }
.Lfunc_end0:
.L_simem_size_0:
called_computation.1_lowered:
.L_overlay_start_0:
0x88: {  	s2 =	sld [smem:$0x3FD9]  }
0x89: {  	s3 =	sld [smem:$0x3FFE];
	_ =	sdelay $0x1  }
0x8a: {  	s1 =	srdreg.scid  }
0x8b: {  	s0 =	sand.u32 $0x1, s1  }
0x8c: {  	s16 =	sshll.u32 s0, $0xA;
	s2 =	sadd.s32 s3, s2  }
0x8d: {  	s2 =	sadd.s32 s2, s16  }
0x8e: {  	[smem:$0x3FAC] =	sst s2  }
0x8f: {  	_ = 	snop  }
0x90: {  	(tm) =	ssettm $0x1  }
0x91: {  	s17 =	sld [smem:$0x3FFB];
	_ =	sdelay $0x3  }
0x92: {  	_ =	strace s17  }
0x93: {  	s2 =	sld [smem:$0x3FFC];
	_ =	sdelay $0x3  }
0x94: {  	_ =	strace s2  }
0x95: {  	s2 =	sld [smem:$0x3FFD];
	_ =	sdelay $0x3  }
0x96: {  	_ =	strace s2  }
0x97: {  	_ =	strace $0x8FFFFFFF  }
0x98: {  	s18 =	sld [smem:$0x3FDB];
	_ =	sdelay $0x1  }
0x99: {  	s19 =	simm.s32 $_scs_section_size  }
0x9a: {  	s4 =	simm.s32 $_size__tile_overlayer_lowered;
	s5 =	simm.s32 $_tile_overlayer_lowered  }
0x9b: {  	s22 =	simm.s32 $0x1BFF;
	s21 =	sshll.u32 s5, $0x1;
	s2 =	sadd.s32 s19, s18  }
0x9c: {  	s6 =	simm.s32 $0x0;
	s20 =	sshll.u32 s4, $0x1;
	s4 =	sadd.s32 s21, s2  }
0x9d: {  	[timem:s6], [sflag:s22] =	dma.local [hbm:s4], s20  }
0x9e: {  	_ =	swait.ge [sflag:s22], s20  }
0x9f: {  	s3 =	ssub.s32 $0x0, s20;
	[sflag:s22] =	ssyncset.done $0x0  }
0xa0: {  	[sflag:s22] =	ssyncadd.s32 s3;
	_ =	sdelay $0x1  }
0xa1: {  	s23 =	simm.s32 $0x1B8B  }
0xa2: {  	_ =	swait.ge [sflag:s23], $0x1  }
0xa3: {  	[sflag:s23] =	ssyncset.done $0x0  }
0xa4: {  	s25 =	simm.s32 $0x1B8E;
	s24 =	sld [smem:$0x3FFE];
	[sflag:s23] =	ssyncadd.s32 $0xFFFFFFFF  }
0xa5: {  	s26 =	simm.s32 $execute0_lowered;
	[smem:$0x3FD2] =	sst s25  }
0xa6: {  	s4 =	sshll.u32 s26, $0x1;
	_ =	strace $0x80000049;
	[dreg:$0x1] =	wrdreg $0xFFFFFFFF  }
0xa7: {  	s28 =	simm.s32 $_size_execute0_lowered;
	s2 =	sadd.s32 s2, s4;
	[dreg:$0x0] =	wrdreg $0x0  }
0xa8: {  	s4 =	sshll.u32 s28, $0x1;
	[dreg:$0x2] =	wrdreg s2  }
0xa9: {  	[dreg:$0x3] =	wrdreg s4  }
0xaa: {  	[dreg:$0x4] =	wrdreg $0xC0  }
0xab: {  	_ =	task [dreg:s6], $0x5FFFF  }
0xac: {  	[dreg:$0x1] =	wrdreg $0xFFFFFFFF  }
0xad: {  	[dreg:$0x0] =	wrdreg $0x60  }
0xae: {  	[dreg:$0x2] =	wrdreg s24  }
0xaf: {  	[dreg:$0x3] =	wrdreg $0x12000  }
0xb0: {  	[dreg:$0x4] =	wrdreg $0x9  }
0xb1: {  	_ =	task.clear_ibuf [dreg:s6], $0x5FFFF;
	_ =	strace $0x90000049  }
0xb2: {  	s29 =	simm.s32 $0x9;
	_ =	strace $0x8000004B  }
0xb3: {  	_ =	swait.ge [sflag:s29], $0x1  }
0xb4: {  	[sflag:s29] =	ssyncadd.s32 $0xFFFFFFFF  }
0xb5: {  	_ =	strace $0x9000004B  }
0xb6: {  	_ =	sfence  }
0xb7: {  	s30 =	sld [smem:$0x0];
	_ =	sdelay $0x2  }
0xb8: {  	s31 =	sshll.u32 s1, $0xD;
	s1 =	sshrl.u32 s1, $0x2  }
0xb9: {  	s3 =	sand.u32 $0x4000, s31;
	s1 =	sadd.s32 s1, s30  }
0xba: {  	s0 =	sor.u32 s3, s0;
	s1 =	sshll.u32 s1, $0x11  }
0xbb: {  	s0 =	sor.u32 s1, s0  }
0xbc: {  	s0 =	sadd.s32 $0x8F2B, s0  }
0xbd: {  	[sflag:s0] =	ssyncadd.remote.s32 $0x1  }
0xbe: {  	_ =	sfence.sel $0xFFFF  }
0xbf: {  	[dreg:$0x0] =	wrdreg $0xFFFFFFFF;
	(pc) =	sbr.abs _section_cstart, $3  }
0xc0: {  	[dreg:$0x1] =	wrdreg $0xFFFFFFFF  }
0xc1: {  	_ =	task.clear_ibuf [dreg:s6], $0x2FFFF;
	_ =	strace $0x9FFFFFFF  }
0xc2: {  	(tm) =	ssettm $0x7FFFFFFF  }
0xc3: {  	_ =	shalt  }
tec
execute0_lowered:
.L_overlay_start_1:
0x0: {  	(tag) =	ssettag $0x1  }
0x1: {  	s3 =	rddreg [dreg:$0x0]  }
0x2: {  	s1 =	rddreg [dreg:$0x1]  }
0x3: {  	s0 =	rddreg [dreg:$0x2];
	s2 =	simm.s32 $0x0;
	s6 =	stileid.u32  }
0x4: {  	s5 =	srdreg.scid;
	s12 =	simm.s32 $0x180;
	s13 =	simm.s32 $0x200  }
0x5: {  	s14 =	simm.s32 $0x600;
	s15 =	simm.s32 $0xA00;
	s4 =	smul.u32 $0x1880, s6  }
0x6: {  	s16 =	simm.s32 $0xE00;
	s7 =	smul.u32 $0xC400, s6;
	s5 =	sand.u32 $0x1, s5  }
0x7: {  	s17 =	simm.s32 $0x0;
	[smem:$0x7FF] =	sst s2;
	s30 =	smul.u32 $0xC360, s5  }
0x8: {  	p0 =	sne.s32 s6, $0x0;
	_ =	strace $0x8000004A;
	s11 =	smul.u32 $0x6200, s5  }
0x9: {  	s9 =	ssub.s32 $0x2, s5;
	s31 =	smul.u32 $0xC40, s5;
	s8 =	sadd.s32 s4, s3  }
0xa: {  	s7 =	sadd.s32 s7, s3;
	s10 =	sshrl.u32 s9, $0x1;
	s4 =	sadd.s32 s30, s3  }
0xb: {  	s9 =	ssub.s32 s9, s10;
	s3 =	sadd.s32 $0xC6600, s3;
	s7 =	sadd.s32 s11, s7  }
0xc: {  	s8 =	sadd.s32 s31, s8;
	s10 =	simm.s32 $0x80;
	s11 =	simm.s32 $0x100  }
0xd: {  	s4 =	sadd.s32 $0xD2A00, s4;
	s5 =	smax.u32 s9, $0x1;
	s6 =	sadd.s32 $0x2600, s7  }
0xe: {  	s7 =	sadd.s32 $0xF6A00, s8;
	s8 =	sshrl.u32 @!p0 s1, $0x3;
	s9 =	simm.s32 $0x1  }
.LBB2_1:
0xf: {  	s18 =	simm.s32 @!p0 $0x1C01  }
0x10: {  	[spmem:s8], [sflag:s18] =	dma.local @!p0 [hbm:s3], $0xC360  }
0x11: {  	s18 =	simm.s32 @!p0 $0x1  }
0x12: {  	_ =	swait.ge @!p0 [sflag:s18], $0xC360  }
0x13: {  	[sflag:s18] =	ssyncset.done @!p0 $0x0  }
0x14: {  	[sflag:s18] =	ssyncadd.s32 @!p0 $0xFFFF3CA0  }
0x15: {  	s30 =	sadd.s32 $0x0, s7;
	[bflag:$0x0] =	sbarrier.arrive $0xFFFF  }
0x16: {  	[tilespmem:s2], [sflag:$0x1] =	stream.linear.gather [hbm4b:s30+s2], $0x80, $0x38;
	[tilespmem:$0x73B0] =	vst v63  }
0x17: {  	_ =	swait.ge [sflag:s9], $0x80  }
0x18: {  	[sflag:s9] =	ssyncset.done $0x0  }
0x19: {  	s19 =	sadd.s32 $0x10, s30;
	[sflag:s9] =	ssyncadd.s32 $0xFFFFFF80  }
0x1a: {  	[tilespmem:s10], [sflag:$0x1] =	stream.linear.gather [hbm4b:s19+s2], $0x80, $0x38;
	[tilespmem:$0x73B0] =	vst v63  }
0x1b: {  	_ =	swait.ge [sflag:s9], $0x80  }
0x1c: {  	[sflag:s9] =	ssyncset.done $0x0  }
0x1d: {  	s31 =	sadd.s32 $0x20, s30;
	[sflag:s9] =	ssyncadd.s32 $0xFFFFFF80  }
0x1e: {  	[tilespmem:s11], [sflag:$0x1] =	stream.linear.gather [hbm4b:s31+s2], $0x80, $0x38;
	[tilespmem:$0x73B0] =	vst v63  }
0x1f: {  	_ =	swait.ge [sflag:s9], $0x80  }
0x20: {  	[sflag:s9] =	ssyncset.done $0x0  }
0x21: {  	s18 =	sadd.s32 $0x30, s30;
	[sflag:s9] =	ssyncadd.s32 $0xFFFFFF80  }
0x22: {  	[tilespmem:s12], [sflag:$0x1] =	stream.linear.gather [hbm4b:s18+s2], $0x80, $0x38;
	[tilespmem:$0x73B0] =	vst v63  }
0x23: {  	_ =	swait.ge [sflag:s9], $0x80  }
0x24: {  	[sflag:s9] =	ssyncset.done $0x0  }
0x25: {  	[sflag:s9] =	ssyncadd.s32 $0xFFFFFF80  }
0x26: {  	[tilespmem:s13], [sflag:$0x1] =	stream.linear.gather [hbm4b:s6+s2], $0x1000, $0x38;
	[tilespmem:$0x73B0] =	vst v63  }
0x27: {  	_ =	swait.ge [sflag:s9], $0x1000  }
0x28: {  	[sflag:s9] =	ssyncset.done $0x0  }
0x29: {  	[sflag:s9] =	ssyncadd.s32 $0xFFFFF000  }
0x2a: {  	[spmem:s1] =	stream.indirect.scatter.add.f32 [tilespmem:s13], [sflag:$0x1], $0x8, s2, s10, $0xb8;
	[tilespmem:$0x73B0] =	vst v63  }
0x2b: {  	_ =	swait.ge [sflag:s9], $0x400  }
0x2c: {  	[sflag:s9] =	ssyncset.done $0x0  }
0x2d: {  	[sflag:s9] =	ssyncadd.s32 $0xFFFFFC00  }
0x2e: {  	[spmem:s1] =	stream.indirect.scatter.add.f32 [tilespmem:s14], [sflag:$0x1], $0x8, s10, s10, $0xb8;
	[tilespmem:$0x73B0] =	vst v63  }
0x2f: {  	_ =	swait.ge [sflag:s9], $0x400  }
0x30: {  	[sflag:s9] =	ssyncset.done $0x0  }
0x31: {  	[sflag:s9] =	ssyncadd.s32 $0xFFFFFC00  }
0x32: {  	[spmem:s1] =	stream.indirect.scatter.add.f32 [tilespmem:s15], [sflag:$0x1], $0x8, s11, s10, $0xb8;
	[tilespmem:$0x73B0] =	vst v63  }
0x33: {  	_ =	swait.ge [sflag:s9], $0x400  }
0x34: {  	[sflag:s9] =	ssyncset.done $0x0  }
0x35: {  	[sflag:s9] =	ssyncadd.s32 $0xFFFFFC00  }
0x36: {  	[spmem:s1] =	stream.indirect.scatter.add.f32 [tilespmem:s16], [sflag:$0x1], $0x8, s12, s10, $0xb8;
	[tilespmem:$0x73B0] =	vst v63  }
0x37: {  	s21 =	simm.s32 $0x80;
	_ =	swait.ge [sflag:s9], $0x400  }
0x38: {  	s19 =	simm.s32 $0x40;
	s18 =	sadd.s32 $0x200, s6;
	[sflag:s9] =	ssyncset.done $0x0  }
.LBB2_2:
0x39: {  	s22 =	sadd.s32 s19, s7  }
0x3a: {  	[sflag:s9] =	ssyncadd.s32 $0xFFFFFC00;
	s19 =	smov.u32 s21;
	s20 =	sadd.s32 $0x40, s21  }
0x3b: {  	[tilespmem:s2], [sflag:$0x1] =	stream.linear.gather [hbm4b:s22+s2], $0x80, $0x38;
	[tilespmem:$0x73B0] =	vst v63  }
0x3c: {  	p1 =	sne.s32 s21, $0xC00;
	_ =	swait.ge [sflag:s9], $0x80  }
0x3d: {  	[sflag:s9] =	ssyncset.done $0x0  }
0x3e: {  	s21 =	sadd.s32 $0x10, s22;
	[sflag:s9] =	ssyncadd.s32 $0xFFFFFF80  }
0x3f: {  	[tilespmem:s10], [sflag:$0x1] =	stream.linear.gather [hbm4b:s21+s2], $0x80, $0x38;
	[tilespmem:$0x73B0] =	vst v63  }
0x40: {  	_ =	swait.ge [sflag:s9], $0x80  }
0x41: {  	[sflag:s9] =	ssyncset.done $0x0  }
0x42: {  	s21 =	sadd.s32 $0x20, s22;
	[sflag:s9] =	ssyncadd.s32 $0xFFFFFF80  }
0x43: {  	[tilespmem:s11], [sflag:$0x1] =	stream.linear.gather [hbm4b:s21+s2], $0x80, $0x38;
	[tilespmem:$0x73B0] =	vst v63  }
0x44: {  	_ =	swait.ge [sflag:s9], $0x80  }
0x45: {  	[sflag:s9] =	ssyncset.done $0x0  }
0x46: {  	s21 =	sadd.s32 $0x30, s22;
	[sflag:s9] =	ssyncadd.s32 $0xFFFFFF80  }
0x47: {  	[tilespmem:s12], [sflag:$0x1] =	stream.linear.gather [hbm4b:s21+s2], $0x80, $0x38;
	[tilespmem:$0x73B0] =	vst v63  }
0x48: {  	_ =	swait.ge [sflag:s9], $0x80  }
0x49: {  	[sflag:s9] =	ssyncset.done $0x0  }
0x4a: {  	[sflag:s9] =	ssyncadd.s32 $0xFFFFFF80  }
0x4b: {  	[tilespmem:s13], [sflag:$0x1] =	stream.linear.gather [hbm4b:s18+s2], $0x1000, $0x38;
	[tilespmem:$0x73B0] =	vst v63  }
0x4c: {  	_ =	swait.ge [sflag:s9], $0x1000  }
0x4d: {  	[sflag:s9] =	ssyncset.done $0x0  }
0x4e: {  	[sflag:s9] =	ssyncadd.s32 $0xFFFFF000  }
0x4f: {  	[spmem:s1] =	stream.indirect.scatter.add.f32 [tilespmem:s13], [sflag:$0x1], $0x8, s2, s10, $0xb8;
	[tilespmem:$0x73B0] =	vst v63  }
0x50: {  	_ =	swait.ge [sflag:s9], $0x400  }
0x51: {  	[sflag:s9] =	ssyncset.done $0x0  }
0x52: {  	[sflag:s9] =	ssyncadd.s32 $0xFFFFFC00  }
0x53: {  	[spmem:s1] =	stream.indirect.scatter.add.f32 [tilespmem:s14], [sflag:$0x1], $0x8, s10, s10, $0xb8;
	[tilespmem:$0x73B0] =	vst v63  }
0x54: {  	_ =	swait.ge [sflag:s9], $0x400  }
0x55: {  	[sflag:s9] =	ssyncset.done $0x0  }
0x56: {  	[sflag:s9] =	ssyncadd.s32 $0xFFFFFC00  }
0x57: {  	[spmem:s1] =	stream.indirect.scatter.add.f32 [tilespmem:s15], [sflag:$0x1], $0x8, s11, s10, $0xb8;
	[tilespmem:$0x73B0] =	vst v63  }
0x58: {  	_ =	swait.ge [sflag:s9], $0x400  }
.Ltmp0:
0x59: {  	[sflag:s9] =	ssyncset.done $0x0;
	(pc) =	sbr.rel @p1 .LBB2_2-.Ltmp0, $4  }
0x5a: {  	[sflag:s9] =	ssyncadd.s32 $0xFFFFFC00  }
0x5b: {  	[spmem:s1] =	stream.indirect.scatter.add.f32 [tilespmem:s16], [sflag:$0x1], $0x8, s12, s10, $0xb8;
	[tilespmem:$0x73B0] =	vst v63  }
0x5c: {  	_ =	swait.ge [sflag:s9], $0x400  }
0x5d: {  	s21 =	smov.u32 s20;
	s18 =	sadd.s32 $0x200, s18;
	[sflag:s9] =	ssyncset.done $0x0  }
0x5e: {  	s19 =	sadd.s32 s19, s7;
	[sflag:s9] =	ssyncadd.s32 $0xFFFFFC00  }
0x5f: {  	[tilespmem:s2], [sflag:$0x1] =	stream.linear.gather [hbm4b:s19+s2], $0x80, $0x38;
	[tilespmem:$0x73B0] =	vst v63  }
0x60: {  	_ =	swait.ge [sflag:s9], $0x80  }
0x61: {  	[sflag:s9] =	ssyncset.done $0x0  }
0x62: {  	s20 =	sadd.s32 $0x10, s19;
	[sflag:s9] =	ssyncadd.s32 $0xFFFFFF80  }
0x63: {  	[tilespmem:s10], [sflag:$0x1] =	stream.linear.gather [hbm4b:s20+s2], $0x80, $0x38;
	[tilespmem:$0x73B0] =	vst v63  }
0x64: {  	_ =	swait.ge [sflag:s9], $0x80  }
0x65: {  	[sflag:s9] =	ssyncset.done $0x0  }
0x66: {  	s31 =	sadd.s32 $0x20, s19;
	[sflag:s9] =	ssyncadd.s32 $0xFFFFFF80  }
0x67: {  	[tilespmem:s11], [sflag:$0x1] =	stream.linear.gather [hbm4b:s31+s2], $0x80, $0x38;
	[tilespmem:$0x73B0] =	vst v63  }
0x68: {  	_ =	swait.ge [sflag:s9], $0x80  }
0x69: {  	[sflag:s9] =	ssyncset.done $0x0  }
0x6a: {  	s19 =	sadd.s32 $0x30, s19;
	[sflag:s9] =	ssyncadd.s32 $0xFFFFFF80  }
0x6b: {  	[tilespmem:s12], [sflag:$0x1] =	stream.linear.gather [hbm4b:s19+s2], $0x80, $0x38;
	[tilespmem:$0x73B0] =	vst v63  }
0x6c: {  	_ =	swait.ge [sflag:s9], $0x80  }
0x6d: {  	[sflag:s9] =	ssyncset.done $0x0  }
0x6e: {  	[sflag:s9] =	ssyncadd.s32 $0xFFFFFF80  }
0x6f: {  	[tilespmem:s13], [sflag:$0x1] =	stream.linear.gather [hbm4b:s18+s2], $0x1000, $0x38;
	[tilespmem:$0x73B0] =	vst v63  }
0x70: {  	_ =	swait.ge [sflag:s9], $0x1000  }
0x71: {  	[sflag:s9] =	ssyncset.done $0x0  }
0x72: {  	[sflag:s9] =	ssyncadd.s32 $0xFFFFF000  }
0x73: {  	[spmem:s1] =	stream.indirect.scatter.add.f32 [tilespmem:s13], [sflag:$0x1], $0x8, s2, s10, $0xb8;
	[tilespmem:$0x73B0] =	vst v63  }
0x74: {  	_ =	swait.ge [sflag:s9], $0x400  }
0x75: {  	[sflag:s9] =	ssyncset.done $0x0  }
0x76: {  	[sflag:s9] =	ssyncadd.s32 $0xFFFFFC00  }
0x77: {  	[spmem:s1] =	stream.indirect.scatter.add.f32 [tilespmem:s14], [sflag:$0x1], $0x8, s10, s10, $0xb8;
	[tilespmem:$0x73B0] =	vst v63  }
0x78: {  	_ =	swait.ge [sflag:s9], $0x400  }
0x79: {  	[sflag:s9] =	ssyncset.done $0x0  }
0x7a: {  	[sflag:s9] =	ssyncadd.s32 $0xFFFFFC00  }
0x7b: {  	[spmem:s1] =	stream.indirect.scatter.add.f32 [tilespmem:s15], [sflag:$0x1], $0x8, s11, s10, $0xb8;
	[tilespmem:$0x73B0] =	vst v63  }
0x7c: {  	_ =	swait.ge [sflag:s9], $0x400  }
0x7d: {  	[sflag:s9] =	ssyncset.done $0x0  }
0x7e: {  	[sflag:s9] =	ssyncadd.s32 $0xFFFFFC00  }
0x7f: {  	[spmem:s1] =	stream.indirect.scatter.add.f32 [tilespmem:s16], [sflag:$0x1], $0x8, s12, s10, $0xb8;
	[tilespmem:$0x73B0] =	vst v63  }
0x80: {  	_ =	swait.ge [sflag:s9], $0x400  }
0x81: {  	[sflag:s9] =	ssyncset.done $0x0  }
0x82: {  	s17 =	sadd.s32 $0x1, s17;
	[sflag:s9] =	ssyncadd.s32 $0xFFFFFC00  }
0x83: {  	p1 =	sne.s32 s17, s5;
	s18 =	simm.s32 @!p0 $0x1C01;
	[bflag:$0x0] =	sbarrier.arrive $0xFFFF  }
0x84: {  	[hbm:s4], [sflag:s18] =	dma.local @!p0 [spmem:s8], $0xC360  }
.Ltmp1:
0x85: {  	_ = 	snop;
	(pc) =	sbr.rel @p1 .LBB2_1-.Ltmp1, $4  }
0x86: {  	s18 =	simm.s32 @!p0 $0x1  }
0x87: {  	_ =	swait.ge @!p0 [sflag:s18], $0xC360  }
0x88: {  	[sflag:s18] =	ssyncset.done @!p0 $0x0  }
0x89: {  	[sflag:s18] =	ssyncadd.s32 @!p0 $0xFFFF3CA0  }
0x8a: {  	_ =	sfence.sel $0x180000  }
0x8b: {  	[bflag:$0x0] =	sbarrier.arrive $0xFFFF  }
0x8c: {  	_ =	strace $0x9000004A  }
0x8d: {  	s0 =	sadd.s32 @!p0 $0x100000, s0;
	[bflag:$0x2] =	sbarrier.arrive $0xFFFF  }
0x8e: {  	[sflag:s0] =	ssyncadd.tile.s32 @!p0 $0x1;
	_ =	shalt  }
.Lfunc_end2:
_tile_overlayer_lowered:
.L_overlay_start_2:
0x8f: {  	(tag) =	ssettag $0x2  }
0x90: {  	s0 =	rddreg [dreg:$0x0];
	s2 =	stileid.u32  }
0x91: {  	s1 =	rddreg [dreg:$0x1];
	p0 =	sne.s32 s2, $0x0  }
0x92: {  	s3 =	rddreg [dreg:$0x2];
	[bflag:$0x3] =	sbarrier.arrive $0xFFFF;
	s2 =	simm.s32 @!p0 $0x1C01  }
0x93: {  	[timem:s3], [sflag:s2] =	dma.local @!p0 [hbm:s0], s1  }
0x94: {  	s0 =	simm.s32 @!p0 $0x1  }
0x95: {  	_ =	swait.ge @!p0 [sflag:s0], s1  }
0x96: {  	s1 =	ssub.s32 @!p0 $0x0, s1;
	[sflag:s0] =	ssyncset.done @!p0 $0x0  }
0x97: {  	[sflag:s0] =	ssyncadd.s32 @!p0 s1  }
0x98: {  	[bflag:$0x3] =	sbarrier.arrive $0xFFFF  }
0x99: {  	_ =	shalt  }

// kernel: kernel.13.cloned.1.call-start
scs
__scs_entry_jumppad:
0x0: {  	(pc) =	sbr.rel $0x88, $3  }
0x1: {  	(tag) =	ssettag $0x0;
	lr =	simm.s32 $0x1  }
0x2: {  	[smem:$0x3F85] =	sst lr;
	_ =	strace $0xD0000000  }
0x3: {  	_ = 	snop  }
0x4: {  	_ = 	snop  }
0x5: {  	_ = 	snop  }
0x6: {  	_ = 	snop  }
0x7: {  	_ = 	snop  }
__scs_overlays_trampoline_lowered:
0x8: {  	[smem:$0x3F94] =	sst s0  }
0x9: {  	[smem:$0x3F95] =	sst s1  }
0xa: {  	[smem:$0x3F96] =	sst s2  }
0xb: {  	[smem:$0x3F97] =	sst s3  }
0xc: {  	[smem:$0x3F98] =	sst s4  }
0xd: {  	[smem:$0x3F99] =	sst s5  }
0xe: {  	[smem:$0x3F9A] =	sst s6  }
0xf: {  	[smem:$0x3F9B] =	sst s7  }
0x10: {  	[smem:$0x3F9C] =	sst s8  }
0x11: {  	[smem:$0x3F9D] =	sst s9;
	s0 =	simm.s32 @!p0 $0x0  }
0x12: {  	s1 =	sld [smem:$0x3F83];
	s0 =	simm.s32 @p0 $0x1  }
0x13: {  	[smem:$0x3F9E] =	sst s0;
	s0 =	simm.s32 @!p1 $0x0  }
0x14: {  	s2 =	sld [smem:$0x3F82];
	s0 =	simm.s32 @p1 $0x1  }
0x15: {  	[smem:$0x3F9F] =	sst s0;
	s0 =	simm.s32 @!p2 $0x0  }
0x16: {  	s3 =	sld [smem:$0x3FDB];
	s0 =	simm.s32 @p2 $0x1  }
0x17: {  	s4 =	simm.s32 $0x1BF5;
	[smem:$0x3FA1] =	sst s0  }
0x18: {  	s0 =	sld [smem:$0x3F84];
	_ =	swait.ge [sflag:s4], $0x0  }
0x19: {  	s7 =	sld [smem:$0x3F85]  }
0x1a: {  	s8 =	sadd.s32 $0xFFFFE003, lr  }
0x1b: {  	s9 =	sadd.s32 $0xFFFFFEF7, lr;
	s5 =	simm.s32 $0xFFFFFFFF;
	p2 =	slt.u32 s8, $0xFFFFF086  }
0x1c: {  	p1 =	slt.u32 s9, $0xF7A;
	s5 =	simm.s32 @!p2 $0x0  }
0x1d: {  	s5 =	simm.s32 @p1 $0x1;
	p0 =	seq.s32 s7, s2  }
0x1e: {  	s7 =	smul.u32 @!p0 $0xF7A, s2;
	p2 =	seq.s32 @!p0 s5, $0x0  }
0x1f: {  	s9 =	smul.u32 $0xF7A, s1;
	s8 =	simm.s32 @!p0 $0x1BF5;
	p2 =	por !p2, p0  }
0x20: {  	[sflag:s8] =	ssyncset.s32 @!p0 $0xFFFFF086;
	s6 =	sadd.s32 @!p0 s3, s7;
	s7 =	simm.s32 @!p0 $0x108  }
0x21: {  	s3 =	sadd.s32 s3, s9;
	s6 =	sadd.s32 @!p0 $0x88, s6;
	s7 =	simm.s32 @p2 $0x1082  }
0x22: {  	[simem:s7], [sflag:s8] =	dma.local @!p0 [hbm:s6], $0xF7A  }
0x23: {  	s9 =	sor.u32 $0xD0000000, s2;
	s6 =	simm.s32 $0x108;
	_ =	swait.ge @!p0 [sflag:s8], $0x0  }
0x24: {  	s3 =	sadd.s32 $0x88, s3;
	s6 =	simm.s32 @!p1 $0x1082;
	[sflag:s4] =	ssyncset.s32 $0xFFFFF086  }
0x25: {  	[simem:s6], [sflag:s4] =	dma.local [hbm:s3], $0xF7A  }
0x26: {  	[smem:$0x3F85] =	sst s1;
	(tag) =	ssettag s2;
	_ =	strace s9  }
0x27: {  	s1 =	sld [smem:$0x3F95]  }
0x28: {  	s2 =	sld [smem:$0x3F96]  }
0x29: {  	s4 =	sld [smem:$0x3F98]  }
0x2a: {  	p0 =	seq.s32 s5, $0x0;
	s5 =	sld [smem:$0x3F99]  }
0x2b: {  	s6 =	sld [smem:$0x3F9A]  }
0x2c: {  	s7 =	sld [smem:$0x3F9B]  }
0x2d: {  	s3 =	simm.s32 $0x108;
	s8 =	sld [smem:$0x3F9C]  }
0x2e: {  	s3 =	simm.s32 @!p0 $0x1082;
	s9 =	sld [smem:$0x3F9D]  }
0x2f: {  	lr =	sadd.s32 s0, s3;
	s0 =	sld [smem:$0x3F94]  }
0x30: {  	s3 =	sld [smem:$0x3F97]  }
0x31: {  	[smem:$0x3FA0] =	sst s10  }
0x32: {  	s10 =	sld [smem:$0x3F9E];
	_ =	sdelay $0x3  }
0x33: {  	p0 =	seq.s32 s10, $0x1;
	s10 =	sld [smem:$0x3FA0];
	_ =	sdelay $0x3  }
0x34: {  	[smem:$0x3FA0] =	sst s10  }
0x35: {  	s10 =	sld [smem:$0x3F9F];
	_ =	sdelay $0x3  }
0x36: {  	p1 =	seq.s32 s10, $0x1;
	s10 =	sld [smem:$0x3FA0];
	_ =	sdelay $0x3  }
0x37: {  	[smem:$0x3FA0] =	sst s10  }
0x38: {  	s10 =	sld [smem:$0x3FA1]  }
0x39: {  	_ = 	snop;
	(pc) =	sbr.ind lr, $3  }
0x3a: {  	_ = 	snop  }
0x3b: {  	_ = 	snop  }
0x3c: {  	p2 =	seq.s32 s10, $0x1;
	s10 =	sld [smem:$0x3FA0]  }
0x3d: {  	_ =	shalt  }
0x3e: {  	_ =	shalt  }
0x3f: {  	_ =	shalt  }
0x40: {  	_ =	shalt  }
0x41: {  	_ =	shalt  }
0x42: {  	_ =	shalt  }
0x43: {  	_ =	shalt  }
0x44: {  	_ =	shalt  }
0x45: {  	_ =	shalt  }
0x46: {  	_ =	shalt  }
0x47: {  	_ =	shalt  }
0x48: {  	_ =	shalt  }
0x49: {  	_ =	shalt  }
0x4a: {  	_ =	shalt  }
0x4b: {  	_ =	shalt  }
0x4c: {  	_ =	shalt  }
0x4d: {  	_ =	shalt  }
0x4e: {  	_ =	shalt  }
0x4f: {  	_ =	shalt  }
0x50: {  	_ =	shalt  }
0x51: {  	_ =	shalt  }
0x52: {  	_ =	shalt  }
0x53: {  	_ =	shalt  }
0x54: {  	_ =	shalt  }
0x55: {  	_ =	shalt  }
0x56: {  	_ =	shalt  }
0x57: {  	_ =	shalt  }
0x58: {  	_ =	shalt  }
0x59: {  	_ =	shalt  }
0x5a: {  	_ =	shalt  }
0x5b: {  	_ =	shalt  }
0x5c: {  	_ =	shalt  }
0x5d: {  	_ =	shalt  }
0x5e: {  	_ =	shalt  }
0x5f: {  	_ =	shalt  }
0x60: {  	_ =	shalt  }
0x61: {  	_ =	shalt  }
0x62: {  	_ =	shalt  }
0x63: {  	_ =	shalt  }
0x64: {  	_ =	shalt  }
0x65: {  	_ =	shalt  }
0x66: {  	_ =	shalt  }
0x67: {  	_ =	shalt  }
0x68: {  	_ =	shalt  }
0x69: {  	_ =	shalt  }
0x6a: {  	_ =	shalt  }
0x6b: {  	_ =	shalt  }
0x6c: {  	_ =	shalt  }
0x6d: {  	_ =	shalt  }
0x6e: {  	_ =	shalt  }
0x6f: {  	_ =	shalt  }
0x70: {  	_ =	shalt  }
0x71: {  	_ =	shalt  }
0x72: {  	_ =	shalt  }
0x73: {  	_ =	shalt  }
0x74: {  	_ =	shalt  }
0x75: {  	_ =	shalt  }
0x76: {  	_ =	shalt  }
0x77: {  	_ =	shalt  }
0x78: {  	_ =	shalt  }
0x79: {  	_ =	shalt  }
0x7a: {  	_ =	shalt  }
0x7b: {  	_ =	shalt  }
0x7c: {  	_ =	shalt  }
0x7d: {  	_ =	shalt  }
0x7e: {  	_ =	shalt  }
0x7f: {  	_ =	shalt  }
0x80: {  	_ =	shalt  }
0x81: {  	_ =	shalt  }
0x82: {  	_ =	shalt  }
0x83: {  	_ =	shalt  }
0x84: {  	_ =	shalt  }
0x85: {  	_ =	shalt  }
0x86: {  	_ =	shalt  }
0x87: {  	_ =	shalt  }
.Lfunc_end0:
.L_simem_size_0:
called_computation.2_lowered:
.L_overlay_start_0:
0x88: {  	s2 =	sld [smem:$0x3FD9]  }
0x89: {  	s3 =	sld [smem:$0x3FFE];
	_ =	sdelay $0x1  }
0x8a: {  	s1 =	srdreg.scid  }
0x8b: {  	s0 =	sand.u32 $0x1, s1  }
0x8c: {  	s17 =	sshll.u32 s0, $0xA;
	s2 =	sadd.s32 s3, s2  }
0x8d: {  	s2 =	sadd.s32 s2, s17  }
0x8e: {  	[smem:$0x3FAC] =	sst s2  }
0x8f: {  	_ = 	snop  }
0x90: {  	s2 =	sld [smem:$0x3FB5];
	(tm) =	ssettm $0x1  }
0x91: {  	s18 =	sld [smem:$0x3FFB];
	_ =	sdelay $0x3  }
0x92: {  	_ =	strace s18  }
0x93: {  	s3 =	sld [smem:$0x3FFC];
	_ =	sdelay $0x3  }
0x94: {  	_ =	strace s3  }
0x95: {  	s3 =	sld [smem:$0x3FFD];
	_ =	sdelay $0x3  }
0x96: {  	_ =	strace s3  }
0x97: {  	_ =	strace $0x8FFFFFFF  }
0x98: {  	s19 =	sld [smem:$0x3FDB];
	_ =	sdelay $0x1  }
0x99: {  	s4 =	simm.s32 $_scs_section_size  }
0x9a: {  	s5 =	simm.s32 $_size__tile_overlayer_lowered;
	s6 =	simm.s32 $_tile_overlayer_lowered  }
0x9b: {  	s22 =	simm.s32 $0x1BFF;
	s21 =	sshll.u32 s6, $0x1;
	s3 =	sadd.s32 s4, s19  }
0x9c: {  	s7 =	simm.s32 $0x0;
	s20 =	sshll.u32 s5, $0x1;
	s5 =	sadd.s32 s21, s3  }
0x9d: {  	[timem:s7], [sflag:s22] =	dma.local [hbm:s5], s20  }
0x9e: {  	_ =	swait.ge [sflag:s22], s20  }
0x9f: {  	s4 =	ssub.s32 $0x0, s20;
	[sflag:s22] =	ssyncset.done $0x0  }
0xa0: {  	[sflag:s22] =	ssyncadd.s32 s4;
	_ =	sdelay $0x1  }
0xa1: {  	s23 =	simm.s32 $0x1B8B  }
0xa2: {  	_ =	swait.ge [sflag:s23], $0x1  }
0xa3: {  	[sflag:s23] =	ssyncset.done $0x0  }
0xa4: {  	s25 =	simm.s32 $0x1B8E;
	s24 =	sld [smem:$0x3FFE];
	[sflag:s23] =	ssyncadd.s32 $0xFFFFFFFF  }
0xa5: {  	s26 =	simm.s32 $execute0_lowered;
	[smem:$0x3FD2] =	sst s25  }
0xa6: {  	s5 =	sshll.u32 s26, $0x1;
	_ =	strace $0x8000004C;
	[dreg:$0x1] =	wrdreg $0xFFFFFFFF  }
0xa7: {  	s28 =	simm.s32 $_size_execute0_lowered;
	s3 =	sadd.s32 s3, s5;
	[dreg:$0x0] =	wrdreg $0x0  }
0xa8: {  	s5 =	sshll.u32 s28, $0x1;
	[dreg:$0x2] =	wrdreg s3  }
0xa9: {  	[dreg:$0x3] =	wrdreg s5  }
0xaa: {  	[dreg:$0x4] =	wrdreg $0xC0  }
0xab: {  	_ =	task [dreg:s7], $0x5FFFF  }
0xac: {  	[dreg:$0x1] =	wrdreg $0xFFFFFFFF  }
0xad: {  	[dreg:$0x0] =	wrdreg $0x60  }
0xae: {  	[dreg:$0x2] =	wrdreg s24  }
0xaf: {  	[dreg:$0x3] =	wrdreg s2  }
0xb0: {  	[dreg:$0x4] =	wrdreg $0x25200  }
0xb1: {  	[dreg:$0x5] =	wrdreg $0x9  }
0xb2: {  	_ =	task.clear_ibuf [dreg:s7], $0x6FFFF;
	_ =	strace $0x9000004C  }
0xb3: {  	s29 =	simm.s32 $0x9;
	_ =	strace $0x8000004E  }
0xb4: {  	_ =	swait.ge [sflag:s29], $0x1  }
0xb5: {  	[sflag:s29] =	ssyncadd.s32 $0xFFFFFFFF  }
0xb6: {  	_ =	strace $0x9000004E  }
0xb7: {  	_ =	sfence  }
0xb8: {  	s30 =	sld [smem:$0x0];
	_ =	sdelay $0x2  }
0xb9: {  	s31 =	sshll.u32 s1, $0xD;
	s1 =	sshrl.u32 s1, $0x2  }
0xba: {  	s3 =	sand.u32 $0x4000, s31;
	s1 =	sadd.s32 s1, s30  }
0xbb: {  	s0 =	sor.u32 s3, s0;
	s1 =	sshll.u32 s1, $0x11  }
0xbc: {  	s0 =	sor.u32 s1, s0  }
0xbd: {  	s0 =	sadd.s32 $0x8F2B, s0  }
0xbe: {  	[sflag:s0] =	ssyncadd.remote.s32 $0x1  }
0xbf: {  	_ =	sfence.sel $0xFFFF  }
0xc0: {  	[dreg:$0x0] =	wrdreg $0xFFFFFFFF;
	(pc) =	sbr.abs _section_cstart, $3  }
0xc1: {  	[dreg:$0x1] =	wrdreg $0xFFFFFFFF  }
0xc2: {  	_ =	task.clear_ibuf [dreg:s7], $0x2FFFF;
	_ =	strace $0x9FFFFFFF  }
0xc3: {  	(tm) =	ssettm $0x7FFFFFFF  }
tec
execute0_lowered:
.L_overlay_start_1:
0x0: {  	(tag) =	ssettag $0x1  }
0x1: {  	s9 =	rddreg [dreg:$0x0]  }
0x2: {  	s1 =	rddreg [dreg:$0x1]  }
0x3: {  	s2 =	rddreg [dreg:$0x2]  }
0x4: {  	s0 =	rddreg [dreg:$0x3];
	s3 =	simm.s32 $0x0;
	s7 =	srdreg.scid  }
0x5: {  	s12 =	stileid.u32;
	s15 =	simm.s32 $0x80;
	s16 =	simm.s32 $0x100  }
0x6: {  	s17 =	simm.s32 $0x1100;
	s18 =	simm.s32 $0x1;
	s19 =	simm.s32 $0x2  }
0x7: {  	s20 =	simm.s32 $0x2100;
	[smem:$0x7FF] =	sst s3;
	s4 =	sadd.s32 $0x127A00, s9  }
0x8: {  	s21 =	simm.s32 $0x0;
	s5 =	sadd.s32 $0x10F200, s9;
	s6 =	sadd.s32 $0x140200, s9  }
0x9: {  	s10 =	sand.u32 $0x1, s7;
	s7 =	sadd.s32 $0xD2A00, s9;
	s8 =	sadd.s32 $0xC6600, s9  }
0xa: {  	s14 =	sshll.u32 s12, $0x1;
	p0 =	sne.s32 s12, $0x0;
	_ =	strace $0x8000004D  }
0xb: {  	s11 =	smul.u32 $0xC360, s10;
	s13 =	ssub.s32 $0x2, s10;
	s10 =	sor.u32 s10, s14  }
0xc: {  	s12 =	sshrl.u32 @!p0 s2, $0x3;
	s14 =	simm.s32 $0x3;
	s31 =	sshrl.u32 s13, $0x1  }
0xd: {  	s11 =	sadd.s32 s11, s9;
	s13 =	ssub.s32 s13, s31;
	s9 =	smul.u32 $0xC4, s10  }
0xe: {  	v0 =	vlaneseq.u32;
	s10 =	sadd.s32 $0x171000, s11;
	s11 =	smax.u32 s13, $0x1;
	s13 =	simm.s32 $0x2500  }
.LBB2_1:
0xf: {  	s22 =	simm.s32 @!p0 $0x1C03  }
0x10: {  	[spmem:s12], [sflag:s22] =	dma.local @!p0 [hbm:s8], $0xC360  }
0x11: {  	s22 =	simm.s32 @!p0 $0x3  }
0x12: {  	_ =	swait.ge @!p0 [sflag:s22], $0xC360  }
0x13: {  	[sflag:s22] =	ssyncset.done @!p0 $0x0  }
0x14: {  	[sflag:s22] =	ssyncadd.s32 @!p0 $0xFFFF3CA0  }
0x15: {  	[tilespmem:s13], [sflag:$0x3] =	stream.linear.gather [hbm4b:s1+s3], $0x20, $0x38;
	[tilespmem:$0x86D0] =	vst v63  }
0x16: {  	_ =	swait.ge [sflag:s14], $0x20  }
0x17: {  	[sflag:s14] =	ssyncset.done $0x0  }
0x18: {  	[sflag:s14] =	ssyncadd.s32 $0xFFFFFFE0  }
0x19: {  	s22 =	simm.s32 $0x0;
	[bflag:$0x0] =	sbarrier.arrive $0xFFFF  }
.LBB2_2:
0x1a: {  	s23 =	sadd.s32 s9, s22  }
0x1b: {  	s24 =	sshll.u32 s23, $0x4  }
0x1c: {  	s23 =	simm.s32 $0x0;
	s25 =	sadd.s32 s4, s24  }
0x1d: {  	[tilespmem:s23], [sflag:$0x3] =	stream.linear.gather [hbm4b:s25+s23], $0x80, $0x38;
	[tilespmem:$0x86D0] =	vst v63  }
0x1e: {  	_ =	swait.ge [sflag:s14], $0x80  }
0x1f: {  	[sflag:s14] =	ssyncset.done $0x0  }
0x20: {  	s24 =	sadd.s32 s5, s24;
	[sflag:s14] =	ssyncadd.s32 $0xFFFFFF80  }
0x21: {  	[tilespmem:s15], [sflag:$0x3] =	stream.linear.gather [hbm4b:s24+s23], $0x80, $0x38;
	[tilespmem:$0x86D0] =	vst v63  }
0x22: {  	_ =	swait.ge [sflag:s14], $0x80  }
0x23: {  	[sflag:s14] =	ssyncset.done $0x0  }
0x24: {  	[sflag:s14] =	ssyncadd.s32 $0xFFFFFF80  }
0x25: {  	[tilespmem:s16], [sflag:$0x1] =	stream.indirect.gather [hbm4b:s6+s15], $0x20, s23, s15, $0xb8;
	[tilespmem:$0x86D0] =	vst v63  }
0x26: {  	_ = 	snop  }
0x27: {  	[tilespmem:s17], [sflag:$0x2] =	stream.indirect.gather [hbm4b:s7+s15], $0x20, s15, s15, $0xb8;
	[tilespmem:$0x86D0] =	vst v63  }
0x28: {  	_ =	swait.ge [sflag:s18], $0x1000  }
0x29: {  	[sflag:s18] =	ssyncset.done $0x0  }
0x2a: {  	[sflag:s18] =	ssyncadd.s32 $0xFFFFF000  }
0x2b: {  	_ =	swait.ge [sflag:s19], $0x1000  }
0x2c: {  	[sflag:s19] =	ssyncset.done $0x0  }
0x2d: {  	s24 =	simm.s32 $0x0;
	[sflag:s19] =	ssyncadd.s32 $0xFFFFF000  }
.LBB2_3:
0x2e: {  	s25 =	sshll.u32 s24, $0x4  }
0x2f: {  	v1 =	vor.u32 s25, v0  }
0x30: {  	v2 =	vshll.u32 v1, $0x5  }
0x31: {  	v3 =	vadd.s32 s23, v2;
	_ =	sdelay $0x4  }
0x32: {  	s31 =	simm.s32 $0x1;
	v4 =	vmov s23;
	v5 =	vld.idx.msk [tilespmem:v3+s16+$0x0], $0xffff  }
0x33: {  	v6 =	vadd.s32 s31, v2;
	v3 =	vld.idx.msk [tilespmem:v3+s17+$0x0], $0xffff;
	_ =	sdelay $0x3  }
0x34: {  	s26 =	simm.s32 $0x2;
	v10 =	vld.idx.msk [tilespmem:v4+s13+$0x0], $0xffff;
	v4 =	vmov s31  }
0x35: {  	v7 =	vadd.s32 s26, v2;
	v11 =	vld.idx.msk [tilespmem:v6+s16+$0x0], $0xffff;
	v9 =	vadd.f32 v3, v5  }
0x36: {  	v8 =	vld.idx.msk [tilespmem:v6+s17+$0x0], $0xffff  }
0x37: {  	v3 =	vimm.f32 $0.0e+00;
	v12 =	vmul.f32 $2.000000030e-01, v9  }
0x38: {  	v13 =	vadd.f32 v5, v3  }
0x39: {  	v6 =	vld.idx.msk [tilespmem:v4+s13+$0x0], $0xffff;
	v12 =	vmax.f32 v9, v12  }
0x3a: {  	s25 =	simm.s32 $0x3;
	v5 =	vld.idx.msk [tilespmem:v7+s16+$0x0], $0xffff;
	v4 =	vadd.f32 v11, v13;
	v9 =	vmov s26;
	v10 =	vmul.f32 v12, v10  }
.LBB2_4:
0x3b: {  	v11 =	vadd.f32 v8, v11;
	v8 =	vld.idx.msk [tilespmem:v7+s17+$0x0], $0xffff;
	v7 =	vadd.s32 s25, v2;
	s26 =	smov.u32 s25;
	p1 =	sne.s32 s25, $0x1F  }
.Ltmp0:
0x3c: {  	s25 =	sadd.s32 $0x1, s25;
	v3 =	vadd.f32 v10, v3;
	(pc) =	sbr.rel @p1 .LBB2_4-.Ltmp0, $3  }
0x3d: {  	v10 =	vmul.f32 $2.000000030e-01, v11;
	_ =	sdelay $0x1  }
0x3e: {  	v12 =	vmov v6;
	v10 =	vmax.f32 v11, v10;
	v6 =	vld.idx.msk [tilespmem:v9+s13+$0x0], $0xffff  }
0x3f: {  	v9 =	vmov s26;
	v4 =	vadd.f32 v5, v4;
	v11 =	vmovc v5;
	v10 =	vmul.f32 v10, v12;
	v5 =	vld.idx.msk [tilespmem:v7+s16+$0x0], $0xffff  }
0x40: {  	_ =	sdelay $0x3  }
0x41: {  	v2 =	vld.idx.msk [tilespmem:v7+s17+$0x0], $0xffff;
	_ =	sdelay $0x2  }
0x42: {  	v61 =	vadd.f32 v8, v11;
	_ =	sdelay $0x1  }
0x43: {  	v9 =	vld.idx.msk [tilespmem:v9+s13+$0x0], $0xffff;
	v8 =	vmul.f32 $2.000000030e-01, v61;
	v2 =	vadd.f32 v2, v5;
	_ =	sdelay $0x1  }
0x44: {  	v7 =	vmax.f32 v61, v8;
	v62 =	vmul.f32 $2.000000030e-01, v2  }
0x45: {  	v3 =	vadd.f32 v10, v3;
	v6 =	vmul.f32 v7, v6  }
0x46: {  	v2 =	vmax.f32 v2, v62  }
0x47: {  	v3 =	vadd.f32 v6, v3;
	v2 =	vmul.f32 v2, v9;
	_ =	sdelay $0x1  }
0x48: {  	v2 =	vadd.f32 v2, v3;
	_ =	sdelay $0x1  }
0x49: {  	v2 =	vmul.f32 $1.442695020e+00, v2;
	_ =	sdelay $0x1  }
0x4a: {  	(erf) = vpow2.f32 v2;
	_ =	sdelay $0x6  }
0x4b: {  	v1 =	vshll.u32 v1, $0x3;
	s24 =	sadd.s32 $0x1, s24  }
0x4c: {  	p1 =	sne.s32 s24, $0x8;
	v3 =	vor.u32 $0x1, v1;
	v2 =	vadd.f32 v5, v4  }
.Ltmp1:
0x4d: {  	v63 =	vpop (erf);
	(pc) =	sbr.rel @p1 .LBB2_3-.Ltmp1, $3  }
0x4e: {  	v2 =	vmul.f32 v63, v2;
	_ =	sdelay $0x1  }
0x4f: {  	[tilespmem:v1+s20+$0x0] =	vst.idx.msk $0xffff, v2  }
0x50: {  	[tilespmem:v3+s20+$0x0] =	vst.idx.msk $0xffff, v63  }
0x51: {  	s22 =	sadd.s32 $0x1, s22  }
0x52: {  	p1 =	sne.s32 s22, $0xC4  }
.Ltmp2:
0x53: {  	_ = 	snop;
	(pc) =	sbr.rel @p1 .LBB2_2-.Ltmp2, $4  }
0x54: {  	[spmem:s2] =	stream.indirect.scatter.add.f32 [tilespmem:s20], [sflag:$0x3], $0x8, s15, s15, $0xb8;
	[tilespmem:$0x86D0] =	vst v63  }
0x55: {  	_ =	swait.ge [sflag:s14], $0x400  }
0x56: {  	[sflag:s14] =	ssyncset.done $0x0  }
0x57: {  	[sflag:s14] =	ssyncadd.s32 $0xFFFFFC00  }
0x58: {  	[bflag:$0x0] =	sbarrier.arrive $0xFFFF;
	s22 =	simm.s32 @!p0 $0x1C03;
	s21 =	sadd.s32 $0x1, s21  }
0x59: {  	[hbm:s10], [sflag:s22] =	dma.local @!p0 [spmem:s12], $0xC360  }
0x5a: {  	p1 =	sne.s32 s21, s11  }
.Ltmp3:
0x5b: {  	_ = 	snop;
	(pc) =	sbr.rel @p1 .LBB2_1-.Ltmp3, $4  }
0x5c: {  	s22 =	simm.s32 @!p0 $0x3  }
0x5d: {  	_ =	swait.ge @!p0 [sflag:s22], $0xC360  }
0x5e: {  	[sflag:s22] =	ssyncset.done @!p0 $0x0  }
0x5f: {  	[sflag:s22] =	ssyncadd.s32 @!p0 $0xFFFF3CA0  }
0x60: {  	_ =	sfence.sel $0x180000  }
0x61: {  	[bflag:$0x0] =	sbarrier.arrive $0xFFFF  }
0x62: {  	_ =	strace $0x9000004D  }
0x63: {  	s0 =	sadd.s32 @!p0 $0x100000, s0;
	[bflag:$0x2] =	sbarrier.arrive $0xFFFF  }
0x64: {  	[sflag:s0] =	ssyncadd.tile.s32 @!p0 $0x1;
	_ =	shalt  }
.Lfunc_end2:
_tile_overlayer_lowered:
.L_overlay_start_2:
0x65: {  	(tag) =	ssettag $0x2  }
0x66: {  	s0 =	rddreg [dreg:$0x0];
	s2 =	stileid.u32  }
0x67: {  	s1 =	rddreg [dreg:$0x1];
	p0 =	sne.s32 s2, $0x0  }
0x68: {  	s3 =	rddreg [dreg:$0x2];
	[bflag:$0x3] =	sbarrier.arrive $0xFFFF;
	s2 =	simm.s32 @!p0 $0x1C03  }
0x69: {  	[timem:s3], [sflag:s2] =	dma.local @!p0 [hbm:s0], s1  }
0x6a: {  	s0 =	simm.s32 @!p0 $0x3  }
0x6b: {  	_ =	swait.ge @!p0 [sflag:s0], s1  }
0x6c: {  	s1 =	ssub.s32 @!p0 $0x0, s1;
	[sflag:s0] =	ssyncset.done @!p0 $0x0  }
0x6d: {  	[sflag:s0] =	ssyncadd.s32 @!p0 s1  }
0x6e: {  	[bflag:$0x3] =	sbarrier.arrive $0xFFFF  }
0x6f: {  	_ =	shalt  }

// kernel: kernel.7.cloned.1.call-start
scs
__scs_entry_jumppad:
0x0: {  	(pc) =	sbr.rel $0x88, $3  }
0x1: {  	(tag) =	ssettag $0x0;
	lr =	simm.s32 $0x1  }
0x2: {  	[smem:$0x3F85] =	sst lr;
	_ =	strace $0xD0000000  }
0x3: {  	_ = 	snop  }
0x4: {  	_ = 	snop  }
0x5: {  	_ = 	snop  }
0x6: {  	_ = 	snop  }
0x7: {  	_ = 	snop  }
__scs_overlays_trampoline_lowered:
0x8: {  	[smem:$0x3F94] =	sst s0  }
0x9: {  	[smem:$0x3F95] =	sst s1  }
0xa: {  	[smem:$0x3F96] =	sst s2  }
0xb: {  	[smem:$0x3F97] =	sst s3  }
0xc: {  	[smem:$0x3F98] =	sst s4  }
0xd: {  	[smem:$0x3F99] =	sst s5  }
0xe: {  	[smem:$0x3F9A] =	sst s6  }
0xf: {  	[smem:$0x3F9B] =	sst s7  }
0x10: {  	[smem:$0x3F9C] =	sst s8  }
0x11: {  	[smem:$0x3F9D] =	sst s9;
	s0 =	simm.s32 @!p0 $0x0  }
0x12: {  	s1 =	sld [smem:$0x3F83];
	s0 =	simm.s32 @p0 $0x1  }
0x13: {  	[smem:$0x3F9E] =	sst s0;
	s0 =	simm.s32 @!p1 $0x0  }
0x14: {  	s2 =	sld [smem:$0x3F82];
	s0 =	simm.s32 @p1 $0x1  }
0x15: {  	[smem:$0x3F9F] =	sst s0;
	s0 =	simm.s32 @!p2 $0x0  }
0x16: {  	s3 =	sld [smem:$0x3FDB];
	s0 =	simm.s32 @p2 $0x1  }
0x17: {  	s4 =	simm.s32 $0x1BF5;
	[smem:$0x3FA1] =	sst s0  }
0x18: {  	s0 =	sld [smem:$0x3F84];
	_ =	swait.ge [sflag:s4], $0x0  }
0x19: {  	s7 =	sld [smem:$0x3F85]  }
0x1a: {  	s8 =	sadd.s32 $0xFFFFE003, lr  }
0x1b: {  	s9 =	sadd.s32 $0xFFFFFEF7, lr;
	s5 =	simm.s32 $0xFFFFFFFF;
	p2 =	slt.u32 s8, $0xFFFFF086  }
0x1c: {  	p1 =	slt.u32 s9, $0xF7A;
	s5 =	simm.s32 @!p2 $0x0  }
0x1d: {  	s5 =	simm.s32 @p1 $0x1;
	p0 =	seq.s32 s7, s2  }
0x1e: {  	s7 =	smul.u32 @!p0 $0xF7A, s2;
	p2 =	seq.s32 @!p0 s5, $0x0  }
0x1f: {  	s9 =	smul.u32 $0xF7A, s1;
	s8 =	simm.s32 @!p0 $0x1BF5;
	p2 =	por !p2, p0  }
0x20: {  	[sflag:s8] =	ssyncset.s32 @!p0 $0xFFFFF086;
	s6 =	sadd.s32 @!p0 s3, s7;
	s7 =	simm.s32 @!p0 $0x108  }
0x21: {  	s3 =	sadd.s32 s3, s9;
	s6 =	sadd.s32 @!p0 $0x88, s6;
	s7 =	simm.s32 @p2 $0x1082  }
0x22: {  	[simem:s7], [sflag:s8] =	dma.local @!p0 [hbm:s6], $0xF7A  }
0x23: {  	s9 =	sor.u32 $0xD0000000, s2;
	s6 =	simm.s32 $0x108;
	_ =	swait.ge @!p0 [sflag:s8], $0x0  }
0x24: {  	s3 =	sadd.s32 $0x88, s3;
	s6 =	simm.s32 @!p1 $0x1082;
	[sflag:s4] =	ssyncset.s32 $0xFFFFF086  }
0x25: {  	[simem:s6], [sflag:s4] =	dma.local [hbm:s3], $0xF7A  }
0x26: {  	[smem:$0x3F85] =	sst s1;
	(tag) =	ssettag s2;
	_ =	strace s9  }
0x27: {  	s1 =	sld [smem:$0x3F95]  }
0x28: {  	s2 =	sld [smem:$0x3F96]  }
0x29: {  	s4 =	sld [smem:$0x3F98]  }
0x2a: {  	p0 =	seq.s32 s5, $0x0;
	s5 =	sld [smem:$0x3F99]  }
0x2b: {  	s6 =	sld [smem:$0x3F9A]  }
0x2c: {  	s7 =	sld [smem:$0x3F9B]  }
0x2d: {  	s3 =	simm.s32 $0x108;
	s8 =	sld [smem:$0x3F9C]  }
0x2e: {  	s3 =	simm.s32 @!p0 $0x1082;
	s9 =	sld [smem:$0x3F9D]  }
0x2f: {  	lr =	sadd.s32 s0, s3;
	s0 =	sld [smem:$0x3F94]  }
0x30: {  	s3 =	sld [smem:$0x3F97]  }
0x31: {  	[smem:$0x3FA0] =	sst s10  }
0x32: {  	s10 =	sld [smem:$0x3F9E];
	_ =	sdelay $0x3  }
0x33: {  	p0 =	seq.s32 s10, $0x1;
	s10 =	sld [smem:$0x3FA0];
	_ =	sdelay $0x3  }
0x34: {  	[smem:$0x3FA0] =	sst s10  }
0x35: {  	s10 =	sld [smem:$0x3F9F];
	_ =	sdelay $0x3  }
0x36: {  	p1 =	seq.s32 s10, $0x1;
	s10 =	sld [smem:$0x3FA0];
	_ =	sdelay $0x3  }
0x37: {  	[smem:$0x3FA0] =	sst s10  }
0x38: {  	s10 =	sld [smem:$0x3FA1]  }
0x39: {  	_ = 	snop;
	(pc) =	sbr.ind lr, $3  }
0x3a: {  	_ = 	snop  }
0x3b: {  	_ = 	snop  }
0x3c: {  	p2 =	seq.s32 s10, $0x1;
	s10 =	sld [smem:$0x3FA0]  }
0x3d: {  	_ =	shalt  }
0x3e: {  	_ =	shalt  }
0x3f: {  	_ =	shalt  }
0x40: {  	_ =	shalt  }
0x41: {  	_ =	shalt  }
0x42: {  	_ =	shalt  }
0x43: {  	_ =	shalt  }
0x44: {  	_ =	shalt  }
0x45: {  	_ =	shalt  }
0x46: {  	_ =	shalt  }
0x47: {  	_ =	shalt  }
0x48: {  	_ =	shalt  }
0x49: {  	_ =	shalt  }
0x4a: {  	_ =	shalt  }
0x4b: {  	_ =	shalt  }
0x4c: {  	_ =	shalt  }
0x4d: {  	_ =	shalt  }
0x4e: {  	_ =	shalt  }
0x4f: {  	_ =	shalt  }
0x50: {  	_ =	shalt  }
0x51: {  	_ =	shalt  }
0x52: {  	_ =	shalt  }
0x53: {  	_ =	shalt  }
0x54: {  	_ =	shalt  }
0x55: {  	_ =	shalt  }
0x56: {  	_ =	shalt  }
0x57: {  	_ =	shalt  }
0x58: {  	_ =	shalt  }
0x59: {  	_ =	shalt  }
0x5a: {  	_ =	shalt  }
0x5b: {  	_ =	shalt  }
0x5c: {  	_ =	shalt  }
0x5d: {  	_ =	shalt  }
0x5e: {  	_ =	shalt  }
0x5f: {  	_ =	shalt  }
0x60: {  	_ =	shalt  }
0x61: {  	_ =	shalt  }
0x62: {  	_ =	shalt  }
0x63: {  	_ =	shalt  }
0x64: {  	_ =	shalt  }
0x65: {  	_ =	shalt  }
0x66: {  	_ =	shalt  }
0x67: {  	_ =	shalt  }
0x68: {  	_ =	shalt  }
0x69: {  	_ =	shalt  }
0x6a: {  	_ =	shalt  }
0x6b: {  	_ =	shalt  }
0x6c: {  	_ =	shalt  }
0x6d: {  	_ =	shalt  }
0x6e: {  	_ =	shalt  }
0x6f: {  	_ =	shalt  }
0x70: {  	_ =	shalt  }
0x71: {  	_ =	shalt  }
0x72: {  	_ =	shalt  }
0x73: {  	_ =	shalt  }
0x74: {  	_ =	shalt  }
0x75: {  	_ =	shalt  }
0x76: {  	_ =	shalt  }
0x77: {  	_ =	shalt  }
0x78: {  	_ =	shalt  }
0x79: {  	_ =	shalt  }
0x7a: {  	_ =	shalt  }
0x7b: {  	_ =	shalt  }
0x7c: {  	_ =	shalt  }
0x7d: {  	_ =	shalt  }
0x7e: {  	_ =	shalt  }
0x7f: {  	_ =	shalt  }
0x80: {  	_ =	shalt  }
0x81: {  	_ =	shalt  }
0x82: {  	_ =	shalt  }
0x83: {  	_ =	shalt  }
0x84: {  	_ =	shalt  }
0x85: {  	_ =	shalt  }
0x86: {  	_ =	shalt  }
0x87: {  	_ =	shalt  }
.Lfunc_end0:
.L_simem_size_0:
called_computation_lowered:
.L_overlay_start_0:
0x88: {  	s2 =	sld [smem:$0x3FD9]  }
0x89: {  	s3 =	sld [smem:$0x3FFE];
	_ =	sdelay $0x1  }
0x8a: {  	s1 =	srdreg.scid  }
0x8b: {  	s0 =	sand.u32 $0x1, s1  }
0x8c: {  	s16 =	sshll.u32 s0, $0xA;
	s2 =	sadd.s32 s3, s2  }
0x8d: {  	s2 =	sadd.s32 s2, s16  }
0x8e: {  	[smem:$0x3FAC] =	sst s2  }
0x8f: {  	_ = 	snop  }
0x90: {  	(tm) =	ssettm $0x1  }
0x91: {  	s17 =	sld [smem:$0x3FFB];
	_ =	sdelay $0x3  }
0x92: {  	_ =	strace s17  }
0x93: {  	s2 =	sld [smem:$0x3FFC];
	_ =	sdelay $0x3  }
0x94: {  	_ =	strace s2  }
0x95: {  	s2 =	sld [smem:$0x3FFD];
	_ =	sdelay $0x3  }
0x96: {  	_ =	strace s2  }
0x97: {  	_ =	strace $0x8FFFFFFF  }
0x98: {  	s18 =	sld [smem:$0x3FDB];
	_ =	sdelay $0x1  }
0x99: {  	s19 =	simm.s32 $_scs_section_size  }
0x9a: {  	s4 =	simm.s32 $_size__tile_overlayer_lowered;
	s5 =	simm.s32 $_tile_overlayer_lowered  }
0x9b: {  	s22 =	simm.s32 $0x1BFF;
	s21 =	sshll.u32 s5, $0x1;
	s2 =	sadd.s32 s19, s18  }
0x9c: {  	s6 =	simm.s32 $0x0;
	s20 =	sshll.u32 s4, $0x1;
	s4 =	sadd.s32 s21, s2  }
0x9d: {  	[timem:s6], [sflag:s22] =	dma.local [hbm:s4], s20  }
0x9e: {  	_ =	swait.ge [sflag:s22], s20  }
0x9f: {  	s3 =	ssub.s32 $0x0, s20;
	[sflag:s22] =	ssyncset.done $0x0  }
0xa0: {  	[sflag:s22] =	ssyncadd.s32 s3;
	_ =	sdelay $0x1  }
0xa1: {  	s23 =	simm.s32 $0x1B8B  }
0xa2: {  	_ =	swait.ge [sflag:s23], $0x1  }
0xa3: {  	[sflag:s23] =	ssyncset.done $0x0  }
0xa4: {  	s25 =	simm.s32 $0x1B8E;
	s24 =	sld [smem:$0x3FFE];
	[sflag:s23] =	ssyncadd.s32 $0xFFFFFFFF  }
0xa5: {  	s26 =	simm.s32 $execute0_lowered;
	[smem:$0x3FD2] =	sst s25  }
0xa6: {  	s4 =	sshll.u32 s26, $0x1;
	_ =	strace $0x80000046;
	[dreg:$0x1] =	wrdreg $0xFFFFFFFF  }
0xa7: {  	s28 =	simm.s32 $_size_execute0_lowered;
	s2 =	sadd.s32 s2, s4;
	[dreg:$0x0] =	wrdreg $0x0  }
0xa8: {  	s4 =	sshll.u32 s28, $0x1;
	[dreg:$0x2] =	wrdreg s2  }
0xa9: {  	[dreg:$0x3] =	wrdreg s4  }
0xaa: {  	[dreg:$0x4] =	wrdreg $0xC0  }
0xab: {  	_ =	task [dreg:s6], $0x5FFFF  }
0xac: {  	[dreg:$0x1] =	wrdreg $0xFFFFFFFF  }
0xad: {  	[dreg:$0x0] =	wrdreg $0x60  }
0xae: {  	[dreg:$0x2] =	wrdreg s24  }
0xaf: {  	[dreg:$0x3] =	wrdreg $0x9  }
0xb0: {  	_ =	task.clear_ibuf [dreg:s6], $0x4FFFF;
	_ =	strace $0x90000046  }
0xb1: {  	s29 =	simm.s32 $0x9;
	_ =	strace $0x80000048  }
0xb2: {  	_ =	swait.ge [sflag:s29], $0x1  }
0xb3: {  	[sflag:s29] =	ssyncadd.s32 $0xFFFFFFFF  }
0xb4: {  	_ =	strace $0x90000048  }
0xb5: {  	_ =	sfence  }
0xb6: {  	s30 =	sld [smem:$0x0];
	_ =	sdelay $0x2  }
0xb7: {  	s31 =	sshll.u32 s1, $0xD;
	s1 =	sshrl.u32 s1, $0x2  }
0xb8: {  	s3 =	sand.u32 $0x4000, s31;
	s1 =	sadd.s32 s1, s30  }
0xb9: {  	s0 =	sor.u32 s3, s0;
	s1 =	sshll.u32 s1, $0x11  }
0xba: {  	s0 =	sor.u32 s1, s0  }
0xbb: {  	s0 =	sadd.s32 $0x8F2B, s0  }
0xbc: {  	[sflag:s0] =	ssyncadd.remote.s32 $0x1  }
0xbd: {  	_ =	sfence.sel $0xFFFF  }
0xbe: {  	[dreg:$0x0] =	wrdreg $0xFFFFFFFF;
	(pc) =	sbr.abs _section_cstart, $3  }
0xbf: {  	[dreg:$0x1] =	wrdreg $0xFFFFFFFF  }
0xc0: {  	_ =	task.clear_ibuf [dreg:s6], $0x2FFFF;
	_ =	strace $0x9FFFFFFF  }
0xc1: {  	(tm) =	ssettm $0x7FFFFFFF  }
tec
execute0_lowered:
.L_overlay_start_1:
0x0: {  	(tag) =	ssettag $0x1  }
0x1: {  	s0 =	rddreg [dreg:$0x0];
	s2 =	simm.s32 $0x0;
	s4 =	stileid.u32  }
0x2: {  	s3 =	srdreg.scid;
	s11 =	simm.s32 $0x200;
	s12 =	simm.s32 $0x80  }
0x3: {  	s13 =	simm.s32 $0x400;
	s14 =	simm.s32 $0xA400;
	s15 =	simm.s32 $0x2C00  }
0x4: {  	s16 =	simm.s32 $0x280;
	s17 =	simm.s32 $0xCC00;
	s18 =	simm.s32 $0x100  }
0x5: {  	s19 =	simm.s32 $0x5400;
	s20 =	simm.s32 $0x300;
	s21 =	simm.s32 $0xF400  }
0x6: {  	s22 =	simm.s32 $0x180;
	s23 =	simm.s32 $0x7C00;
	s24 =	simm.s32 $0x380  }
0x7: {  	s25 =	simm.s32 $0x11C00;
	s26 =	simm.s32 $0x1;
	s1 =	smul.u32 $0x1880, s4  }
0x8: {  	s28 =	simm.s32 $0x0;
	s4 =	smul.u32 $0x7A800, s4;
	s5 =	sand.u32 $0x1, s3  }
0x9: {  	[smem:$0x7FF] =	sst s2;
	s3 =	sadd.s32 $0x7C800, s0;
	s7 =	smul.u32 $0x3D400, s5  }
0xa: {  	_ =	strace $0x80000047;
	s6 =	ssub.s32 $0x2, s5;
	s10 =	smul.u32 $0xC40, s5  }
0xb: {  	s1 =	sadd.s32 s1, s0;
	s8 =	sadd.s32 s4, s0;
	s9 =	sshrl.u32 s6, $0x1  }
0xc: {  	s4 =	sadd.s32 $0x2600, s0;
	s29 =	ssub.s32 s6, s9;
	s30 =	sadd.s32 s7, s8  }
0xd: {  	s1 =	sadd.s32 s10, s1;
	s10 =	simm.s32 $0x2;
	s31 =	sadd.s32 $0x8CFA00, s30  }
0xe: {  	s6 =	sadd.s32 $0x127A00, s30;
	s0 =	smax.u32 s29, $0x1;
	[dreg:$0x2] =	wrdreg s31  }
0xf: {  	s8 =	sadd.s32 $0xF6A00, s1;
	s9 =	sadd.s32 $0x10F200, s1;
	[dreg:$0x3] =	wrdreg s0  }
.LBB2_1:
0x10: {  	s0 =	sadd.s32 $0x0, s9  }
0x11: {  	[tilespmem:s2], [sflag:$0x2] =	stream.linear.gather [hbm4b:s0+s2], $0x200, $0x38;
	[tilespmem:$0x14400] =	vst v63  }
0x12: {  	_ =	swait.ge [sflag:s10], $0x200  }
0x13: {  	[sflag:s10] =	ssyncset.done $0x0  }
0x14: {  	s7 =	sadd.s32 $0x0, s8;
	[sflag:s10] =	ssyncadd.s32 $0xFFFFFE00  }
0x15: {  	[tilespmem:s11], [sflag:$0x2] =	stream.linear.gather [hbm4b:s7+s2], $0x200, $0x38;
	[tilespmem:$0x14400] =	vst v63  }
0x16: {  	_ =	swait.ge [sflag:s10], $0x200  }
0x17: {  	[sflag:s10] =	ssyncset.done $0x0  }
0x18: {  	[sflag:s10] =	ssyncadd.s32 $0xFFFFFE00  }
0x19: {  	[tilespmem:s13], [sflag:$0x1] =	stream.indirect.gather [hbm4b:s3+s12], $0x50, s2, s12, $0xb8;
	[tilespmem:$0x14400] =	vst v63  }
0x1a: {  	_ = 	snop  }
0x1b: {  	[tilespmem:s14], [sflag:$0x1] =	stream.indirect.gather [hbm4b:s4+s12], $0x50, s11, s12, $0xb8;
	[tilespmem:$0x14400] =	vst v63  }
0x1c: {  	_ = 	snop  }
0x1d: {  	[tilespmem:s15], [sflag:$0x1] =	stream.indirect.gather [hbm4b:s3+s12], $0x50, s12, s12, $0xb8;
	[tilespmem:$0x14400] =	vst v63  }
0x1e: {  	_ = 	snop  }
0x1f: {  	[tilespmem:s17], [sflag:$0x1] =	stream.indirect.gather [hbm4b:s4+s12], $0x50, s16, s12, $0xb8;
	[tilespmem:$0x14400] =	vst v63  }
0x20: {  	_ = 	snop  }
0x21: {  	[tilespmem:s19], [sflag:$0x1] =	stream.indirect.gather [hbm4b:s3+s12], $0x50, s18, s12, $0xb8;
	[tilespmem:$0x14400] =	vst v63  }
0x22: {  	_ = 	snop  }
0x23: {  	[tilespmem:s21], [sflag:$0x1] =	stream.indirect.gather [hbm4b:s4+s12], $0x50, s20, s12, $0xb8;
	[tilespmem:$0x14400] =	vst v63  }
0x24: {  	_ = 	snop  }
0x25: {  	[tilespmem:s23], [sflag:$0x1] =	stream.indirect.gather [hbm4b:s3+s12], $0x50, s22, s12, $0xb8;
	[tilespmem:$0x14400] =	vst v63  }
0x26: {  	_ = 	snop  }
0x27: {  	[tilespmem:s25], [sflag:$0x1] =	stream.indirect.gather [hbm4b:s4+s12], $0x50, s24, s12, $0xb8;
	[tilespmem:$0x14400] =	vst v63  }
0x28: {  	_ =	swait.ge [sflag:s26], $0x2800  }
0x29: {  	[sflag:s26] =	ssyncset.done $0x0  }
0x2a: {  	[sflag:s26] =	ssyncadd.s32 $0xFFFFD800  }
0x2b: {  	_ =	swait.ge [sflag:s26], $0x2800  }
0x2c: {  	[sflag:s26] =	ssyncset.done $0x0  }
0x2d: {  	[sflag:s26] =	ssyncadd.s32 $0xFFFFD800  }
0x2e: {  	_ =	swait.ge [sflag:s26], $0x2800  }
0x2f: {  	[sflag:s26] =	ssyncset.done $0x0  }
0x30: {  	[sflag:s26] =	ssyncadd.s32 $0xFFFFD800  }
0x31: {  	_ =	swait.ge [sflag:s26], $0x2800  }
0x32: {  	[sflag:s26] =	ssyncset.done $0x0  }
0x33: {  	[sflag:s26] =	ssyncadd.s32 $0xFFFFD800  }
0x34: {  	_ =	swait.ge [sflag:s26], $0x2800  }
0x35: {  	[sflag:s26] =	ssyncset.done $0x0  }
0x36: {  	[sflag:s26] =	ssyncadd.s32 $0xFFFFD800  }
0x37: {  	_ =	swait.ge [sflag:s26], $0x2800  }
0x38: {  	[sflag:s26] =	ssyncset.done $0x0  }
0x39: {  	[sflag:s26] =	ssyncadd.s32 $0xFFFFD800  }
0x3a: {  	_ =	swait.ge [sflag:s26], $0x2800  }
0x3b: {  	[sflag:s26] =	ssyncset.done $0x0  }
0x3c: {  	[sflag:s26] =	ssyncadd.s32 $0xFFFFD800  }
0x3d: {  	_ =	swait.ge [sflag:s26], $0x2800  }
0x3e: {  	[sflag:s26] =	ssyncset.done $0x0  }
0x3f: {  	s1 =	rddreg [dreg:$0x2];
	[sflag:s26] =	ssyncadd.s32 $0xFFFFD800  }
0x40: {  	[hbm4b:s1+s2] =	stream.linear.scatter [tilespmem:s13], [sflag:$0x2], $0xA000, $0x38;
	[tilespmem:$0x14400] =	vst v63  }
0x41: {  	_ =	swait.ge [sflag:s10], $0xA000  }
0x42: {  	[sflag:s10] =	ssyncset.done $0x0  }
0x43: {  	[sflag:s10] =	ssyncadd.s32 $0xFFFF6000  }
0x44: {  	[hbm4b:s6+s2] =	stream.linear.scatter [tilespmem:s14], [sflag:$0x2], $0xA000, $0x38;
	[tilespmem:$0x14400] =	vst v63  }
0x45: {  	s31 =	simm.s32 $0x40;
	s29 =	sadd.s32 $0x1400, s6;
	_ =	swait.ge [sflag:s10], $0xA000  }
0x46: {  	s0 =	simm.s32 $0x80;
	s30 =	sadd.s32 $0x1400, s1;
	[sflag:s10] =	ssyncset.done $0x0  }
.LBB2_2:
0x47: {  	s7 =	sadd.s32 s31, s9  }
0x48: {  	[sflag:s10] =	ssyncadd.s32 $0xFFFF6000;
	s5 =	smov.u32 s0;
	s1 =	sadd.s32 $0x40, s0  }
0x49: {  	[tilespmem:s2], [sflag:$0x2] =	stream.linear.gather [hbm4b:s7+s2], $0x200, $0x38;
	[tilespmem:$0x14400] =	vst v63  }
0x4a: {  	p0 =	sne.s32 s0, $0xC00;
	_ =	swait.ge [sflag:s10], $0x200  }
0x4b: {  	[sflag:s10] =	ssyncset.done $0x0  }
0x4c: {  	s0 =	sadd.s32 s31, s8;
	s31 =	smov.u32 s5;
	[sflag:s10] =	ssyncadd.s32 $0xFFFFFE00  }
0x4d: {  	[tilespmem:s11], [sflag:$0x2] =	stream.linear.gather [hbm4b:s0+s2], $0x200, $0x38;
	[tilespmem:$0x14400] =	vst v63  }
0x4e: {  	_ =	swait.ge [sflag:s10], $0x200  }
0x4f: {  	[sflag:s10] =	ssyncset.done $0x0  }
0x50: {  	[sflag:s10] =	ssyncadd.s32 $0xFFFFFE00  }
0x51: {  	[tilespmem:s13], [sflag:$0x1] =	stream.indirect.gather [hbm4b:s3+s12], $0x50, s2, s12, $0xb8;
	[tilespmem:$0x14400] =	vst v63  }
0x52: {  	_ = 	snop  }
0x53: {  	[tilespmem:s14], [sflag:$0x1] =	stream.indirect.gather [hbm4b:s4+s12], $0x50, s11, s12, $0xb8;
	[tilespmem:$0x14400] =	vst v63  }
0x54: {  	_ = 	snop  }
0x55: {  	[tilespmem:s15], [sflag:$0x1] =	stream.indirect.gather [hbm4b:s3+s12], $0x50, s12, s12, $0xb8;
	[tilespmem:$0x14400] =	vst v63  }
0x56: {  	_ = 	snop  }
0x57: {  	[tilespmem:s17], [sflag:$0x1] =	stream.indirect.gather [hbm4b:s4+s12], $0x50, s16, s12, $0xb8;
	[tilespmem:$0x14400] =	vst v63  }
0x58: {  	_ = 	snop  }
0x59: {  	[tilespmem:s19], [sflag:$0x1] =	stream.indirect.gather [hbm4b:s3+s12], $0x50, s18, s12, $0xb8;
	[tilespmem:$0x14400] =	vst v63  }
0x5a: {  	_ = 	snop  }
0x5b: {  	[tilespmem:s21], [sflag:$0x1] =	stream.indirect.gather [hbm4b:s4+s12], $0x50, s20, s12, $0xb8;
	[tilespmem:$0x14400] =	vst v63  }
0x5c: {  	_ = 	snop  }
0x5d: {  	[tilespmem:s23], [sflag:$0x1] =	stream.indirect.gather [hbm4b:s3+s12], $0x50, s22, s12, $0xb8;
	[tilespmem:$0x14400] =	vst v63  }
0x5e: {  	_ = 	snop  }
0x5f: {  	[tilespmem:s25], [sflag:$0x1] =	stream.indirect.gather [hbm4b:s4+s12], $0x50, s24, s12, $0xb8;
	[tilespmem:$0x14400] =	vst v63  }
0x60: {  	_ =	swait.ge [sflag:s26], $0x2800  }
0x61: {  	[sflag:s26] =	ssyncset.done $0x0  }
0x62: {  	[sflag:s26] =	ssyncadd.s32 $0xFFFFD800  }
0x63: {  	_ =	swait.ge [sflag:s26], $0x2800  }
0x64: {  	[sflag:s26] =	ssyncset.done $0x0  }
0x65: {  	[sflag:s26] =	ssyncadd.s32 $0xFFFFD800  }
0x66: {  	_ =	swait.ge [sflag:s26], $0x2800  }
0x67: {  	[sflag:s26] =	ssyncset.done $0x0  }
0x68: {  	[sflag:s26] =	ssyncadd.s32 $0xFFFFD800  }
0x69: {  	_ =	swait.ge [sflag:s26], $0x2800  }
0x6a: {  	[sflag:s26] =	ssyncset.done $0x0  }
0x6b: {  	[sflag:s26] =	ssyncadd.s32 $0xFFFFD800  }
0x6c: {  	_ =	swait.ge [sflag:s26], $0x2800  }
0x6d: {  	[sflag:s26] =	ssyncset.done $0x0  }
0x6e: {  	[sflag:s26] =	ssyncadd.s32 $0xFFFFD800  }
0x6f: {  	_ =	swait.ge [sflag:s26], $0x2800  }
0x70: {  	[sflag:s26] =	ssyncset.done $0x0  }
0x71: {  	[sflag:s26] =	ssyncadd.s32 $0xFFFFD800  }
0x72: {  	_ =	swait.ge [sflag:s26], $0x2800  }
0x73: {  	[sflag:s26] =	ssyncset.done $0x0  }
0x74: {  	[sflag:s26] =	ssyncadd.s32 $0xFFFFD800  }
0x75: {  	_ =	swait.ge [sflag:s26], $0x2800  }
0x76: {  	[sflag:s26] =	ssyncset.done $0x0  }
0x77: {  	[sflag:s26] =	ssyncadd.s32 $0xFFFFD800  }
0x78: {  	[hbm4b:s30+s2] =	stream.linear.scatter [tilespmem:s13], [sflag:$0x2], $0xA000, $0x38;
	[tilespmem:$0x14400] =	vst v63  }
0x79: {  	_ =	swait.ge [sflag:s10], $0xA000  }
.Ltmp0:
0x7a: {  	[sflag:s10] =	ssyncset.done $0x0;
	(pc) =	sbr.rel @p0 .LBB2_2-.Ltmp0, $4  }
0x7b: {  	[sflag:s10] =	ssyncadd.s32 $0xFFFF6000  }
0x7c: {  	[hbm4b:s29+s2] =	stream.linear.scatter [tilespmem:s14], [sflag:$0x2], $0xA000, $0x38;
	[tilespmem:$0x14400] =	vst v63  }
0x7d: {  	s0 =	smov.u32 s1;
	_ =	swait.ge [sflag:s10], $0xA000  }
0x7e: {  	s30 =	sadd.s32 $0x1400, s30;
	s29 =	sadd.s32 $0x1400, s29;
	[sflag:s10] =	ssyncset.done $0x0  }
0x7f: {  	s0 =	sadd.s32 s31, s9;
	[sflag:s10] =	ssyncadd.s32 $0xFFFF6000  }
0x80: {  	[tilespmem:s2], [sflag:$0x2] =	stream.linear.gather [hbm4b:s0+s2], $0x200, $0x38;
	[tilespmem:$0x14400] =	vst v63  }
0x81: {  	_ =	swait.ge [sflag:s10], $0x200  }
0x82: {  	[sflag:s10] =	ssyncset.done $0x0  }
0x83: {  	s7 =	sadd.s32 s31, s8;
	[sflag:s10] =	ssyncadd.s32 $0xFFFFFE00  }
0x84: {  	[tilespmem:s11], [sflag:$0x2] =	stream.linear.gather [hbm4b:s7+s2], $0x200, $0x38;
	[tilespmem:$0x14400] =	vst v63  }
0x85: {  	_ =	swait.ge [sflag:s10], $0x200  }
0x86: {  	[sflag:s10] =	ssyncset.done $0x0  }
0x87: {  	[sflag:s10] =	ssyncadd.s32 $0xFFFFFE00  }
0x88: {  	[tilespmem:s13], [sflag:$0x1] =	stream.indirect.gather [hbm4b:s3+s12], $0x50, s2, s12, $0xb8;
	[tilespmem:$0x14400] =	vst v63  }
0x89: {  	_ = 	snop  }
0x8a: {  	[tilespmem:s14], [sflag:$0x1] =	stream.indirect.gather [hbm4b:s4+s12], $0x50, s11, s12, $0xb8;
	[tilespmem:$0x14400] =	vst v63  }
0x8b: {  	_ = 	snop  }
0x8c: {  	[tilespmem:s15], [sflag:$0x1] =	stream.indirect.gather [hbm4b:s3+s12], $0x50, s12, s12, $0xb8;
	[tilespmem:$0x14400] =	vst v63  }
0x8d: {  	_ = 	snop  }
0x8e: {  	[tilespmem:s17], [sflag:$0x1] =	stream.indirect.gather [hbm4b:s4+s12], $0x50, s16, s12, $0xb8;
	[tilespmem:$0x14400] =	vst v63  }
0x8f: {  	_ = 	snop  }
0x90: {  	[tilespmem:s19], [sflag:$0x1] =	stream.indirect.gather [hbm4b:s3+s12], $0x50, s18, s12, $0xb8;
	[tilespmem:$0x14400] =	vst v63  }
0x91: {  	_ = 	snop  }
0x92: {  	[tilespmem:s21], [sflag:$0x1] =	stream.indirect.gather [hbm4b:s4+s12], $0x50, s20, s12, $0xb8;
	[tilespmem:$0x14400] =	vst v63  }
0x93: {  	_ = 	snop  }
0x94: {  	[tilespmem:s23], [sflag:$0x1] =	stream.indirect.gather [hbm4b:s3+s12], $0x50, s22, s12, $0xb8;
	[tilespmem:$0x14400] =	vst v63  }
0x95: {  	_ = 	snop  }
0x96: {  	[tilespmem:s25], [sflag:$0x1] =	stream.indirect.gather [hbm4b:s4+s12], $0x50, s24, s12, $0xb8;
	[tilespmem:$0x14400] =	vst v63  }
0x97: {  	_ =	swait.ge [sflag:s26], $0x2800  }
0x98: {  	[sflag:s26] =	ssyncset.done $0x0  }
0x99: {  	[sflag:s26] =	ssyncadd.s32 $0xFFFFD800  }
0x9a: {  	_ =	swait.ge [sflag:s26], $0x2800  }
0x9b: {  	[sflag:s26] =	ssyncset.done $0x0  }
0x9c: {  	[sflag:s26] =	ssyncadd.s32 $0xFFFFD800  }
0x9d: {  	_ =	swait.ge [sflag:s26], $0x2800  }
0x9e: {  	[sflag:s26] =	ssyncset.done $0x0  }
0x9f: {  	[sflag:s26] =	ssyncadd.s32 $0xFFFFD800  }
0xa0: {  	_ =	swait.ge [sflag:s26], $0x2800  }
0xa1: {  	[sflag:s26] =	ssyncset.done $0x0  }
0xa2: {  	[sflag:s26] =	ssyncadd.s32 $0xFFFFD800  }
0xa3: {  	_ =	swait.ge [sflag:s26], $0x2800  }
0xa4: {  	[sflag:s26] =	ssyncset.done $0x0  }
0xa5: {  	[sflag:s26] =	ssyncadd.s32 $0xFFFFD800  }
0xa6: {  	_ =	swait.ge [sflag:s26], $0x2800  }
0xa7: {  	[sflag:s26] =	ssyncset.done $0x0  }
0xa8: {  	[sflag:s26] =	ssyncadd.s32 $0xFFFFD800  }
0xa9: {  	_ =	swait.ge [sflag:s26], $0x2800  }
0xaa: {  	[sflag:s26] =	ssyncset.done $0x0  }
0xab: {  	[sflag:s26] =	ssyncadd.s32 $0xFFFFD800  }
0xac: {  	_ =	swait.ge [sflag:s26], $0x2800  }
0xad: {  	[sflag:s26] =	ssyncset.done $0x0  }
0xae: {  	[sflag:s26] =	ssyncadd.s32 $0xFFFFD800  }
0xaf: {  	[hbm4b:s30+s2] =	stream.linear.scatter [tilespmem:s13], [sflag:$0x2], $0xA000, $0x38;
	[tilespmem:$0x14400] =	vst v63  }
0xb0: {  	_ =	swait.ge [sflag:s10], $0xA000  }
0xb1: {  	[sflag:s10] =	ssyncset.done $0x0  }
0xb2: {  	[sflag:s10] =	ssyncadd.s32 $0xFFFF6000  }
0xb3: {  	[hbm4b:s29+s2] =	stream.linear.scatter [tilespmem:s14], [sflag:$0x2], $0xA000, $0x38;
	[tilespmem:$0x14400] =	vst v63  }
0xb4: {  	_ =	swait.ge [sflag:s10], $0xA000  }
0xb5: {  	s28 =	sadd.s32 $0x1, s28;
	s31 =	rddreg [dreg:$0x3]  }
0xb6: {  	p0 =	sne.s32 s28, s31  }
.Ltmp1:
0xb7: {  	_ = 	snop;
	(pc) =	sbr.rel @p0 .LBB2_1-.Ltmp1, $3  }
0xb8: {  	_ =	sdelay $0x1  }
0xb9: {  	[sflag:s10] =	ssyncset.done $0x0  }
0xba: {  	[sflag:s10] =	ssyncadd.s32 $0xFFFF6000  }
0xbb: {  	_ =	sfence.sel $0x180000  }
0xbc: {  	[bflag:$0x0] =	sbarrier.arrive $0xFFFF  }
0xbd: {  	_ =	strace $0x90000047  }
0xbe: {  	s0 =	stileid.u32;
	[bflag:$0x2] =	sbarrier.arrive $0xFFFF  }
0xbf: {  	p0 =	sne.s32 s0, $0x0;
	s0 =	rddreg [dreg:$0x1]  }
0xc0: {  	s0 =	sadd.s32 @!p0 $0x100000, s0  }
0xc1: {  	[sflag:s0] =	ssyncadd.tile.s32 @!p0 $0x1;
	_ =	shalt  }
.Lfunc_end2:
_tile_overlayer_lowered:
.L_overlay_start_2:
0xc2: {  	(tag) =	ssettag $0x2  }
0xc3: {  	s0 =	rddreg [dreg:$0x0];
	s2 =	stileid.u32  }
0xc4: {  	s1 =	rddreg [dreg:$0x1];
	p0 =	sne.s32 s2, $0x0  }
0xc5: {  	s3 =	rddreg [dreg:$0x2];
	[bflag:$0x3] =	sbarrier.arrive $0xFFFF;
	s2 =	simm.s32 @!p0 $0x1C02  }
0xc6: {  	[timem:s3], [sflag:s2] =	dma.local @!p0 [hbm:s0], s1  }
0xc7: {  	s0 =	simm.s32 @!p0 $0x2  }
0xc8: {  	_ =	swait.ge @!p0 [sflag:s0], s1  }
0xc9: {  	s1 =	ssub.s32 @!p0 $0x0, s1;
	[sflag:s0] =	ssyncset.done @!p0 $0x0  }
0xca: {  	[sflag:s0] =	ssyncadd.s32 @!p0 s1  }
0xcb: {  	[bflag:$0x3] =	sbarrier.arrive $0xFFFF  }
0xcc: {  	_ =	shalt  }

</sc_bundles>
